<compile_context>
chip_gen: v7x
topology: tpu7x:2x2x1
jax: 0.10.2.dev20260603
libtpu: 0.0.44.dev20260713+nightly
codegen_flags: <defaults>
</compile_context>

<pallas_src>
import functools

import jax
import jax.numpy as jnp
from jax import lax
from jax.experimental import pallas as pl
from jax.experimental.pallas import tpu as pltpu
from jax.experimental.pallas import tpu_sc as plsc

_B, _H, _W = 4, 256, 256
_NCELL = _B * _H * _W
_D = 128
_NC, _NS, _L = 2, 16, 16
_NWORK = _NC * _NS
_CELLS = 2048
_NPASS = _NCELL // (_NC * _CELLS)
_RPT = _CELLS // _NS
_K = 16
_DUMP = _CELLS


def _sc_segment_sum(feat, flat_idx):
    V = feat.shape[0]
    vpw = V // _NS
    nvec = vpw // _L

    mesh = plsc.VectorSubcoreMesh(core_axis_name="c", subcore_axis_name="s")

    @functools.partial(
        pl.kernel,
        mesh=mesh,
        out_type=(
            jax.ShapeDtypeStruct((_NCELL, _D), jnp.float32),
            jax.ShapeDtypeStruct((_NCELL, _L), jnp.float32),
        ),
        scratch_types=[
            pltpu.VMEM((vpw,), jnp.int32),
            pltpu.VMEM((vpw + _K + _L,), jnp.int32),
            pltpu.VMEM((vpw + _K + _L,), jnp.int32),
            pltpu.VMEM((_K,), jnp.int32),
            pltpu.VMEM((_K,), jnp.int32),
            pltpu.VMEM((_K, _D), jnp.float32),
            pltpu.VMEM((_K, _L), jnp.float32),
            pltpu.VMEM((_RPT // 2, _D), jnp.float32),
            pltpu.VMEM((_RPT, _L), jnp.float32),
            pltpu.VMEM_SHARED((_CELLS + 8, _D), jnp.float32),
            pltpu.VMEM_SHARED((_CELLS + 8, _L), jnp.float32),
            pltpu.SemaphoreType.DMA,
        ],
        compiler_params=pltpu.CompilerParams(needs_layout_passes=False),
    )
    def k(feat_h, idx_h, sums_h, cnts_h, idx_t, pend_vox, pend_cell,
          stage_vox, stage_cell, rows, ones, zrows, zcnt, acc, cnt, gsem):
        cid = lax.axis_index("c")
        sid = lax.axis_index("s")
        z16 = jnp.zeros((_L,), jnp.float32)
        o16 = jnp.ones((_L,), jnp.float32)

        def zrow_body(i, carry):
            for t in range(_D // _L):
                zrows[i, pl.ds(t * _L, _L)] = z16
            return carry

        lax.fori_loop(0, _RPT // 2, zrow_body, 0)

        def zcnt_body(i, carry):
            zcnt[i, :] = z16
            return carry

        lax.fori_loop(0, _RPT, zcnt_body, 0)

        def ones_body(i, carry):
            ones[i, :] = o16
            return carry

        lax.fori_loop(0, _K, ones_body, 0)

        pltpu.sync_copy(idx_h.at[pl.ds(sid * vpw, vpw)], idx_t)

        row0 = sid * _RPT
        half = _RPT // 2
        pltpu.sync_copy(zrows, acc.at[pl.ds(row0, half)])
        pltpu.sync_copy(zrows, acc.at[pl.ds(row0 + half, half)])
        pltpu.sync_copy(zcnt, cnt.at[pl.ds(row0, _RPT)])
        plsc.subcore_barrier()

        voxbase = sid * vpw

        lanes = lax.iota(jnp.int32, _L)
        zero16 = jnp.zeros((_L,), jnp.int32)
        cells16 = jnp.full((_L,), _CELLS, jnp.int32)
        dump16 = jnp.full((_L,), _DUMP, jnp.int32)
        trash16 = jnp.full((_L,), vpw + _K + _L - 1, jnp.int32)

        def pass_body(p, carry):
            base = p * (_NC * _CELLS) + cid * _CELLS
            base16 = jnp.full((_L,), base, jnp.int32)
            vox0 = jnp.full((_L,), voxbase, jnp.int32) + lanes

            def scan_body(i, ptr):
                off = i * _L
                idx16 = idx_t[pl.ds(off, _L)]
                rel = idx16 - base16
                m = (rel >= zero16) & (rel < cells16)
                mi = m.astype(jnp.int32)
                incl = plsc.cumsum(mi)
                pos = incl - mi + jnp.full((_L,), ptr, jnp.int32)
                pos = jnp.where(m, pos, trash16)
                vox = vox0 + jnp.full((_L,), off, jnp.int32)
                plsc.store_scatter(pend_vox, [pos], jnp.where(m, vox, zero16))
                plsc.store_scatter(pend_cell, [pos],
                                   jnp.where(m, rel, dump16))
                return ptr + jnp.max(incl)

            ptr = lax.fori_loop(0, nvec, scan_body, 0)

            for t in range(_K // _L):
                pp = jnp.full((_L,), ptr + t * _L, jnp.int32) + lanes
                plsc.store_scatter(pend_vox, [pp], zero16)
                plsc.store_scatter(pend_cell, [pp], dump16)

            nch = (ptr + _K - 1) // _K

            def fire_body(j, carry):
                off = j * _K
                vox16 = pend_vox[pl.ds(off, _L)]
                cell16 = pend_cell[pl.ds(off, _L)]
                pltpu.async_copy(feat_h.at[vox16], rows, gsem).wait()
                pltpu.sync_copy(rows, acc.at[cell16], add=True)
                pltpu.sync_copy(ones, cnt.at[cell16], add=True)
                return carry

            lax.fori_loop(0, nch, fire_body, 0)
            plsc.subcore_barrier()

            g0 = base + row0
            pltpu.sync_copy(acc.at[pl.ds(row0, half)], sums_h.at[pl.ds(g0, half)])
            pltpu.sync_copy(acc.at[pl.ds(row0 + half, half)],
                            sums_h.at[pl.ds(g0 + half, half)])
            pltpu.sync_copy(cnt.at[pl.ds(row0, _RPT)], cnts_h.at[pl.ds(g0, _RPT)])
            pltpu.sync_copy(zrows, acc.at[pl.ds(row0, half)])
            pltpu.sync_copy(zrows, acc.at[pl.ds(row0 + half, half)])
            pltpu.sync_copy(zcnt, cnt.at[pl.ds(row0, _RPT)])
            plsc.subcore_barrier()
            return carry

        lax.fori_loop(0, _NPASS, pass_body, 0)

    return k(feat, flat_idx)


def _tc_project_ln(sums, cnts, w_proj, b_proj, gamma, beta):
    bev = w_proj.shape[0]
    rb = 1024
    grid = (_NCELL // rb,)

    def body(a_ref, w_ref, b_ref, g_ref, bt_ref, c_ref, o_ref):
        a = a_ref[...]
        x = lax.dot_general(a, w_ref[...], (((1,), (1,)), ((), ())),
                            preferred_element_type=jnp.float32)
        x = x + c_ref[:, 0:1] * b_ref[...]
        mu = jnp.mean(x, axis=1, keepdims=True)
        xc = x - mu
        var = jnp.mean(xc * xc, axis=1, keepdims=True)
        y = xc * lax.rsqrt(var + 1e-5)
        o_ref[...] = y * g_ref[...] + bt_ref[...]

    return pl.pallas_call(
        body,
        grid=grid,
        in_specs=[
            pl.BlockSpec((rb, _D), lambda i: (i, 0)),
            pl.BlockSpec((bev, _D), lambda i: (0, 0)),
            pl.BlockSpec((1, bev), lambda i: (0, 0)),
            pl.BlockSpec((1, bev), lambda i: (0, 0)),
            pl.BlockSpec((1, bev), lambda i: (0, 0)),
            pl.BlockSpec((rb, _L), lambda i: (i, 0)),
        ],
        out_specs=pl.BlockSpec((rb, bev), lambda i: (i, 0)),
        out_shape=jax.ShapeDtypeStruct((_NCELL, bev), jnp.float32),
        compiler_params=pltpu.CompilerParams(
            dimension_semantics=("arbitrary",)),
    )(sums, w_proj, b_proj, gamma, beta, cnts)


def kernel(voxel_features, coords, batch_size, grid_h, grid_w, W_proj,
           b_proj, gamma, beta):
    flat = (coords[:, 0] * (_H * _W) + coords[:, 1] * _W
            + coords[:, 2]).astype(jnp.int32)
    sums, cnts = _sc_segment_sum(voxel_features, flat)
    bev = W_proj.shape[0]
    out = _tc_project_ln(sums, cnts, W_proj, b_proj.reshape(1, bev),
                         gamma.reshape(1, bev), beta.reshape(1, bev))
    return out.reshape(_B, _H, _W, bev)

# --- scband reference (transcript-rebuilt; emitter-appended) ---
"""Pipeline reference for scband-bevpillar-pooling-19859928777080 (READ-ONLY COPY).

The authoritative reference and input builder live on the scoring server;
editing this copy changes nothing except your own understanding.
"""

import jax, jax.numpy as jnp
import numpy as np


def setup_inputs(seed: int = 0) -> dict:
    key = jax.random.key(seed)
    ks = jax.random.split(key, 8)
    V = 320000
    voxel_dim = 128
    bev_dim = 256
    B, H, W = 4, 256, 256
    voxel_features = jax.random.normal(ks[0], (V, voxel_dim), dtype=jnp.float32)
    b = jax.random.randint(ks[1], (V, 1), 0, B)
    ix = jax.random.randint(ks[2], (V, 1), 0, H)
    iy = jax.random.randint(ks[3], (V, 1), 0, W)
    coords = jnp.concatenate([b, ix, iy], axis=1).astype(jnp.int32)
    W_proj = jax.random.normal(ks[4], (bev_dim, voxel_dim), dtype=jnp.float32) * 0.02
    b_proj = jnp.zeros((bev_dim,), dtype=jnp.float32)
    gamma = jnp.ones((bev_dim,), dtype=jnp.float32)
    beta = jnp.zeros((bev_dim,), dtype=jnp.float32)
    return {
        'voxel_features': voxel_features,
        'coords': coords,
        'batch_size': B,
        'grid_h': H,
        'grid_w': W,
        'W_proj': W_proj,
        'b_proj': b_proj,
        'gamma': gamma,
        'beta': beta,
    }


def reference(voxel_features, coords, batch_size, grid_h, grid_w, W_proj, b_proj, gamma, beta):
    # Linear projection (nn.Linear): x @ W.T + b
    x = voxel_features @ W_proj.T + b_proj
    batch_idx = coords[:, 0]
    ix = coords[:, 1]
    iy = coords[:, 2]
    flat_idx = batch_idx * (grid_h * grid_w) + ix * grid_w + iy + 0 * batch_size
    bev_dim = x.shape[1]
    B_static, H_static, W_static = 4, 256, 256
    bev_flat = jnp.zeros((B_static * H_static * W_static, bev_dim), dtype=x.dtype)
    bev_flat = bev_flat.at[flat_idx].add(x)
    bev = bev_flat.reshape(B_static, H_static, W_static, bev_dim)
    # LayerNorm over last dim, eps=1e-5
    mean = jnp.mean(bev, axis=-1, keepdims=True)
    var = jnp.var(bev, axis=-1, keepdims=True)
    bev = (bev - mean) / jnp.sqrt(var + 1e-5)
    bev = bev * gamma + beta
    return bev

if __name__ == "__main__":
    import jax
    _d = setup_inputs()
    print(jax.jit(kernel)(*tuple(_d.values())))

</pallas_src>

<mosaic_0001>
#map = affine_map<(d0, d1) -> (0, 0)>
#map1 = affine_map<(d0, d1) -> (0)>
module attributes {stable_mosaic.version = 14 : i64} {
  func.func @k(%arg0: i32, %arg1: i32, %arg2: memref<320000x128xf32, #tpu.memory_space<hbm>>, %arg3: memref<320000xi32, #tpu.memory_space<hbm>>, %arg4: memref<262144x128xf32, #tpu.memory_space<hbm>>, %arg5: memref<262144x16xf32, #tpu.memory_space<hbm>>, %arg6: memref<20000xi32, #tpu.memory_space<vmem>>, %arg7: memref<20032xi32, #tpu.memory_space<vmem>>, %arg8: memref<20032xi32, #tpu.memory_space<vmem>>, %arg9: memref<16xi32, #tpu.memory_space<vmem>>, %arg10: memref<16xi32, #tpu.memory_space<vmem>>, %arg11: memref<16x128xf32, #tpu.memory_space<vmem>>, %arg12: memref<16x16xf32, #tpu.memory_space<vmem>>, %arg13: memref<64x128xf32, #tpu.memory_space<vmem>>, %arg14: memref<128x16xf32, #tpu.memory_space<vmem>>, %arg15: memref<2056x128xf32, #tpu.memory_space<vmem_shared>>, %arg16: memref<2056x16xf32, #tpu.memory_space<vmem_shared>>, %arg17: memref<!tpu.dma_semaphore, #tpu.memory_space<semaphore_mem>>) attributes {dimension_semantics = [#tpu.dimension_semantics<core_parallel>, #tpu.dimension_semantics<subcore_parallel>], iteration_bounds = array<i64: 2, 16>, scalar_prefetch = 0 : i64, scratch_operands = 12 : i64, tpu.core_type = #tpu.core_type<sc_vector_subcore>, window_params = [{transform_indices = #map}, {transform_indices = #map1}, {transform_indices = #map}, {transform_indices = #map}]} {
    %broadcast_in_dim3A = arith.constant 0.000000e+00 : f32
    %broadcast_in_dim3A_0 = vector.broadcast %broadcast_in_dim3A : f32 to vector<16xf32>
    %broadcast_in_dim3A_1 = arith.constant 1.000000e+00 : f32
    %broadcast_in_dim3A_2 = vector.broadcast %broadcast_in_dim3A_1 : f32 to vector<16xf32>
    %scan3A = arith.constant 0 : i32
    %scan3A_3 = arith.constant 0 : i32
    %scan3A_4 = arith.constant 64 : i32
    %scan3A_5 = arith.addi %scan3A_3, %scan3A_4 : i32
    %scan3A_6 = arith.constant 1 : i32
    scf.for %scan3A_40 = %scan3A_3 to %scan3A_5 step %scan3A_6  : i32 {
      %swap3A = arith.index_cast %scan3A_40 : i32 to index
      %swap3A_41 = arith.constant 0 : index
      %swap3A_42 = tpu.vector_load %arg13[%swap3A, %swap3A_41] {strides = array<i32>} : memref<64x128xf32, #tpu.memory_space<vmem>>, vector<16xf32>,
      tpu.vector_store %arg13[%swap3A, %swap3A_41], %broadcast_in_dim3A_0 {strides = array<i32>} : memref<64x128xf32, #tpu.memory_space<vmem>>, vector<16xf32>,
      %swap3A_43 = arith.index_cast %scan3A_40 : i32 to index
      %swap3A_44 = arith.constant 16 : index
      %swap3A_45 = tpu.vector_load %arg13[%swap3A_43, %swap3A_44] {strides = array<i32>} : memref<64x128xf32, #tpu.memory_space<vmem>>, vector<16xf32>,
      tpu.vector_store %arg13[%swap3A_43, %swap3A_44], %broadcast_in_dim3A_0 {strides = array<i32>} : memref<64x128xf32, #tpu.memory_space<vmem>>, vector<16xf32>,
      %swap3A_46 = arith.index_cast %scan3A_40 : i32 to index
      %swap3A_47 = arith.constant 32 : index
      %swap3A_48 = tpu.vector_load %arg13[%swap3A_46, %swap3A_47] {strides = array<i32>} : memref<64x128xf32, #tpu.memory_space<vmem>>, vector<16xf32>,
      tpu.vector_store %arg13[%swap3A_46, %swap3A_47], %broadcast_in_dim3A_0 {strides = array<i32>} : memref<64x128xf32, #tpu.memory_space<vmem>>, vector<16xf32>,
      %swap3A_49 = arith.index_cast %scan3A_40 : i32 to index
      %swap3A_50 = arith.constant 48 : index
      %swap3A_51 = tpu.vector_load %arg13[%swap3A_49, %swap3A_50] {strides = array<i32>} : memref<64x128xf32, #tpu.memory_space<vmem>>, vector<16xf32>,
      tpu.vector_store %arg13[%swap3A_49, %swap3A_50], %broadcast_in_dim3A_0 {strides = array<i32>} : memref<64x128xf32, #tpu.memory_space<vmem>>, vector<16xf32>,
      %swap3A_52 = arith.index_cast %scan3A_40 : i32 to index
      %swap3A_53 = arith.constant 64 : index
      %swap3A_54 = tpu.vector_load %arg13[%swap3A_52, %swap3A_53] {strides = array<i32>} : memref<64x128xf32, #tpu.memory_space<vmem>>, vector<16xf32>,
      tpu.vector_store %arg13[%swap3A_52, %swap3A_53], %broadcast_in_dim3A_0 {strides = array<i32>} : memref<64x128xf32, #tpu.memory_space<vmem>>, vector<16xf32>,
      %swap3A_55 = arith.index_cast %scan3A_40 : i32 to index
      %swap3A_56 = arith.constant 80 : index
      %swap3A_57 = tpu.vector_load %arg13[%swap3A_55, %swap3A_56] {strides = array<i32>} : memref<64x128xf32, #tpu.memory_space<vmem>>, vector<16xf32>,
      tpu.vector_store %arg13[%swap3A_55, %swap3A_56], %broadcast_in_dim3A_0 {strides = array<i32>} : memref<64x128xf32, #tpu.memory_space<vmem>>, vector<16xf32>,
      %swap3A_58 = arith.index_cast %scan3A_40 : i32 to index
      %swap3A_59 = arith.constant 96 : index
      %swap3A_60 = tpu.vector_load %arg13[%swap3A_58, %swap3A_59] {strides = array<i32>} : memref<64x128xf32, #tpu.memory_space<vmem>>, vector<16xf32>,
      tpu.vector_store %arg13[%swap3A_58, %swap3A_59], %broadcast_in_dim3A_0 {strides = array<i32>} : memref<64x128xf32, #tpu.memory_space<vmem>>, vector<16xf32>,
      %swap3A_61 = arith.index_cast %scan3A_40 : i32 to index
      %swap3A_62 = arith.constant 112 : index
      %swap3A_63 = tpu.vector_load %arg13[%swap3A_61, %swap3A_62] {strides = array<i32>} : memref<64x128xf32, #tpu.memory_space<vmem>>, vector<16xf32>,
      tpu.vector_store %arg13[%swap3A_61, %swap3A_62], %broadcast_in_dim3A_0 {strides = array<i32>} : memref<64x128xf32, #tpu.memory_space<vmem>>, vector<16xf32>,
    }
    %scan3A_7 = arith.constant 64 : i32
    %scan3A_8 = arith.constant 0 : i32
    %scan3A_9 = arith.constant 0 : i32
    %scan3A_10 = arith.constant 128 : i32
    %scan3A_11 = arith.addi %scan3A_9, %scan3A_10 : i32
    %scan3A_12 = arith.constant 1 : i32
    scf.for %scan3A_40 = %scan3A_9 to %scan3A_11 step %scan3A_12  : i32 {
      %swap3A = arith.index_cast %scan3A_40 : i32 to index
      %swap3A_41 = arith.constant 0 : index
      %swap3A_42 = tpu.vector_load %arg14[%swap3A, %swap3A_41] {strides = array<i32>} : memref<128x16xf32, #tpu.memory_space<vmem>>, vector<16xf32>,
      tpu.vector_store %arg14[%swap3A, %swap3A_41], %broadcast_in_dim3A_0 {strides = array<i32>} : memref<128x16xf32, #tpu.memory_space<vmem>>, vector<16xf32>,
    }
    %scan3A_13 = arith.constant 128 : i32
    %scan3A_14 = arith.constant 0 : i32
    %scan3A_15 = arith.constant 0 : i32
    %scan3A_16 = arith.constant 16 : i32
    %scan3A_17 = arith.addi %scan3A_15, %scan3A_16 : i32
    %scan3A_18 = arith.constant 1 : i32
    scf.for %scan3A_40 = %scan3A_15 to %scan3A_17 step %scan3A_18  : i32 {
      %swap3A = arith.index_cast %scan3A_40 : i32 to index
      %swap3A_41 = arith.constant 0 : index
      %swap3A_42 = tpu.vector_load %arg12[%swap3A, %swap3A_41] {strides = array<i32>} : memref<16x16xf32, #tpu.memory_space<vmem>>, vector<16xf32>,
      tpu.vector_store %arg12[%swap3A, %swap3A_41], %broadcast_in_dim3A_2 {strides = array<i32>} : memref<16x16xf32, #tpu.memory_space<vmem>>, vector<16xf32>,
    }
    %scan3A_19 = arith.constant 16 : i32
    %mul3A = arith.constant 20000 : i32
    %mul3A_20 = arith.muli %arg1, %mul3A : i32
    "tpu.region"() ({
      %run_scoped3A = tpu.sem_alloc : memref<!tpu.dma_semaphore, #tpu.memory_space<semaphore_mem>>
      %dma_start3A = tpu.memref_slice %arg3[%mul3A_20] : memref<320000xi32, #tpu.memory_space<hbm>> -> memref<20000xi32, #tpu.memory_space<hbm>>
      %dma_start3A_40 = tpu.memref_slice %arg3[%mul3A_20] : memref<320000xi32, #tpu.memory_space<hbm>> -> memref<20000xi32, #tpu.memory_space<hbm>>
      tpu.enqueue_dma source(%dma_start3A_40 : memref<20000xi32, #tpu.memory_space<hbm>>) target(%arg6 : memref<20000xi32, #tpu.memory_space<vmem>>) target_semaphore(%run_scoped3A : memref<!tpu.dma_semaphore, #tpu.memory_space<semaphore_mem>>)
      %dma_wait3A = tpu.memref_slice %arg3[%mul3A_20] : memref<320000xi32, #tpu.memory_space<hbm>> -> memref<20000xi32, #tpu.memory_space<hbm>>
      %dma_wait3A_41 = tpu.memref_slice %arg3[%mul3A_20] : memref<320000xi32, #tpu.memory_space<hbm>> -> memref<20000xi32, #tpu.memory_space<hbm>>
      tpu.wait_dma2 semaphore(%run_scoped3A : memref<!tpu.dma_semaphore, #tpu.memory_space<semaphore_mem>>) src(%dma_wait3A_41 : memref<20000xi32, #tpu.memory_space<hbm>>) dst(%arg6 : memref<20000xi32, #tpu.memory_space<vmem>>)
      tpu.yield
    }) : () -> ()
    %mul3A_21 = arith.constant 128 : i32
    %mul3A_22 = arith.muli %arg1, %mul3A_21 : i32
    "tpu.region"() ({
      %run_scoped3A = tpu.sem_alloc : memref<!tpu.dma_semaphore, #tpu.memory_space<semaphore_mem>>
      %dma_start3A = arith.constant 0 : i32
      %dma_start3A_40 = tpu.memref_slice %arg15[%mul3A_22, %dma_start3A] : memref<2056x128xf32, #tpu.memory_space<vmem_shared>> -> memref<64x128xf32, #tpu.memory_space<vmem_shared>>
      %dma_start3A_41 = arith.constant 0 : i32
      %dma_start3A_42 = tpu.memref_slice %arg15[%mul3A_22, %dma_start3A_41] : memref<2056x128xf32, #tpu.memory_space<vmem_shared>> -> memref<64x128xf32, #tpu.memory_space<vmem_shared>>
      tpu.enqueue_dma source(%arg13 : memref<64x128xf32, #tpu.memory_space<vmem>>) target(%dma_start3A_42 : memref<64x128xf32, #tpu.memory_space<vmem_shared>>) target_semaphore(%run_scoped3A : memref<!tpu.dma_semaphore, #tpu.memory_space<semaphore_mem>>)
      %dma_wait3A = arith.constant 0 : i32
      %dma_wait3A_43 = tpu.memref_slice %arg15[%mul3A_22, %dma_wait3A] : memref<2056x128xf32, #tpu.memory_space<vmem_shared>> -> memref<64x128xf32, #tpu.memory_space<vmem_shared>>
      %dma_wait3A_44 = arith.constant 0 : i32
      %dma_wait3A_45 = tpu.memref_slice %arg15[%mul3A_22, %dma_wait3A_44] : memref<2056x128xf32, #tpu.memory_space<vmem_shared>> -> memref<64x128xf32, #tpu.memory_space<vmem_shared>>
      tpu.wait_dma2 semaphore(%run_scoped3A : memref<!tpu.dma_semaphore, #tpu.memory_space<semaphore_mem>>) src(%arg13 : memref<64x128xf32, #tpu.memory_space<vmem>>) dst(%dma_wait3A_45 : memref<64x128xf32, #tpu.memory_space<vmem_shared>>)
      tpu.yield
    }) : () -> ()
    %add3A = arith.constant 64 : i32
    %add3A_23 = arith.addi %mul3A_22, %add3A : i32
    "tpu.region"() ({
      %run_scoped3A = tpu.sem_alloc : memref<!tpu.dma_semaphore, #tpu.memory_space<semaphore_mem>>
      %dma_start3A = arith.constant 0 : i32
      %dma_start3A_40 = tpu.memref_slice %arg15[%add3A_23, %dma_start3A] : memref<2056x128xf32, #tpu.memory_space<vmem_shared>> -> memref<64x128xf32, #tpu.memory_space<vmem_shared>>
      %dma_start3A_41 = arith.constant 0 : i32
      %dma_start3A_42 = tpu.memref_slice %arg15[%add3A_23, %dma_start3A_41] : memref<2056x128xf32, #tpu.memory_space<vmem_shared>> -> memref<64x128xf32, #tpu.memory_space<vmem_shared>>
      tpu.enqueue_dma source(%arg13 : memref<64x128xf32, #tpu.memory_space<vmem>>) target(%dma_start3A_42 : memref<64x128xf32, #tpu.memory_space<vmem_shared>>) target_semaphore(%run_scoped3A : memref<!tpu.dma_semaphore, #tpu.memory_space<semaphore_mem>>)
      %dma_wait3A = arith.constant 0 : i32
      %dma_wait3A_43 = tpu.memref_slice %arg15[%add3A_23, %dma_wait3A] : memref<2056x128xf32, #tpu.memory_space<vmem_shared>> -> memref<64x128xf32, #tpu.memory_space<vmem_shared>>
      %dma_wait3A_44 = arith.constant 0 : i32
      %dma_wait3A_45 = tpu.memref_slice %arg15[%add3A_23, %dma_wait3A_44] : memref<2056x128xf32, #tpu.memory_space<vmem_shared>> -> memref<64x128xf32, #tpu.memory_space<vmem_shared>>
      tpu.wait_dma2 semaphore(%run_scoped3A : memref<!tpu.dma_semaphore, #tpu.memory_space<semaphore_mem>>) src(%arg13 : memref<64x128xf32, #tpu.memory_space<vmem>>) dst(%dma_wait3A_45 : memref<64x128xf32, #tpu.memory_space<vmem_shared>>)
      tpu.yield
    }) : () -> ()
    "tpu.region"() ({
      %run_scoped3A = tpu.sem_alloc : memref<!tpu.dma_semaphore, #tpu.memory_space<semaphore_mem>>
      %dma_start3A = arith.constant 0 : i32
      %dma_start3A_40 = tpu.memref_slice %arg16[%mul3A_22, %dma_start3A] : memref<2056x16xf32, #tpu.memory_space<vmem_shared>> -> memref<128x16xf32, #tpu.memory_space<vmem_shared>>
      %dma_start3A_41 = arith.constant 0 : i32
      %dma_start3A_42 = tpu.memref_slice %arg16[%mul3A_22, %dma_start3A_41] : memref<2056x16xf32, #tpu.memory_space<vmem_shared>> -> memref<128x16xf32, #tpu.memory_space<vmem_shared>>
      tpu.enqueue_dma source(%arg14 : memref<128x16xf32, #tpu.memory_space<vmem>>) target(%dma_start3A_42 : memref<128x16xf32, #tpu.memory_space<vmem_shared>>) target_semaphore(%run_scoped3A : memref<!tpu.dma_semaphore, #tpu.memory_space<semaphore_mem>>)
      %dma_wait3A = arith.constant 0 : i32
      %dma_wait3A_43 = tpu.memref_slice %arg16[%mul3A_22, %dma_wait3A] : memref<2056x16xf32, #tpu.memory_space<vmem_shared>> -> memref<128x16xf32, #tpu.memory_space<vmem_shared>>
      %dma_wait3A_44 = arith.constant 0 : i32
      %dma_wait3A_45 = tpu.memref_slice %arg16[%mul3A_22, %dma_wait3A_44] : memref<2056x16xf32, #tpu.memory_space<vmem_shared>> -> memref<128x16xf32, #tpu.memory_space<vmem_shared>>
      tpu.wait_dma2 semaphore(%run_scoped3A : memref<!tpu.dma_semaphore, #tpu.memory_space<semaphore_mem>>) src(%arg14 : memref<128x16xf32, #tpu.memory_space<vmem>>) dst(%dma_wait3A_45 : memref<128x16xf32, #tpu.memory_space<vmem_shared>>)
      tpu.yield
    }) : () -> ()
    %barrier3A = arith.constant 0 : index
    tpu.barrier barrier_id(%barrier3A)
    %mul3A_24 = arith.constant 20000 : i32
    %mul3A_25 = arith.muli %arg1, %mul3A_24 : i32
    %iota3A = tpu.iota {dimensions = array<i32: 0>} : vector<16xi32>
    %broadcast_in_dim3A_26 = arith.constant 0 : i32
    %broadcast_in_dim3A_27 = vector.broadcast %broadcast_in_dim3A_26 : i32 to vector<16xi32>
    %broadcast_in_dim3A_28 = arith.constant 2048 : i32
    %broadcast_in_dim3A_29 = vector.broadcast %broadcast_in_dim3A_28 : i32 to vector<16xi32>
    %broadcast_in_dim3A_30 = arith.constant 2048 : i32
    %broadcast_in_dim3A_31 = vector.broadcast %broadcast_in_dim3A_30 : i32 to vector<16xi32>
    %broadcast_in_dim3A_32 = arith.constant 20031 : i32
    %broadcast_in_dim3A_33 = vector.broadcast %broadcast_in_dim3A_32 : i32 to vector<16xi32>
    %scan3A_34 = arith.constant 0 : i32
    %scan3A_35 = arith.constant 0 : i32
    %scan3A_36 = arith.constant 64 : i32
    %scan3A_37 = arith.addi %scan3A_35, %scan3A_36 : i32
    %scan3A_38 = arith.constant 1 : i32
    scf.for %scan3A_40 = %scan3A_35 to %scan3A_37 step %scan3A_38  : i32 {
      %mul3A_41 = arith.constant 4096 : i32
      %mul3A_42 = arith.muli %scan3A_40, %mul3A_41 : i32
      %mul3A_43 = arith.constant 2048 : i32
      %mul3A_44 = arith.muli %arg0, %mul3A_43 : i32
      %add3A_45 = arith.addi %mul3A_42, %mul3A_44 : i32
      %broadcast_in_dim3A_46 = vector.broadcast %add3A_45 : i32 to vector<16xi32>
      %broadcast_in_dim3A_47 = vector.broadcast %mul3A_25 : i32 to vector<16xi32>
      %add3A_48 = arith.addi %broadcast_in_dim3A_47, %iota3A : vector<16xi32>
      %scan3A_49 = arith.constant 0 : i32
      %scan3A_50 = arith.constant 0 : i32
      %scan3A_51 = arith.constant 1250 : i32
      %scan3A_52 = arith.addi %scan3A_50, %scan3A_51 : i32
      %scan3A_53 = arith.constant 1 : i32
      %scan3A_54 = scf.for %scan3A_98 = %scan3A_50 to %scan3A_52 step %scan3A_53 iter_args(%scan3A_99 = %scan3A_49) -> (i32)  : i32 {
        %mul3A_100 = arith.constant 16 : i32
        %mul3A_101 = arith.muli %scan3A_98, %mul3A_100 : i32
        %get3A = arith.index_cast %mul3A_101 : i32 to index
        %get3A_102 = tpu.vector_load %arg6[%get3A] {strides = array<i32>} : memref<20000xi32, #tpu.memory_space<vmem>>, vector<16xi32>,
        %sub3A_103 = arith.subi %get3A_102, %broadcast_in_dim3A_46 : vector<16xi32>
        %ge3A = arith.cmpi sge, %sub3A_103, %broadcast_in_dim3A_27 : vector<16xi32>
        %lt3A = arith.cmpi slt, %sub3A_103, %broadcast_in_dim3A_29 : vector<16xi32>
        %and3A_104 = arith.andi %ge3A, %lt3A : vector<16xi1>
        %convert_element_type3A = arith.extui %and3A_104 : vector<16xi1> to vector<16xi32>
        %broadcast_in_dim3A_105 = arith.constant true
        %broadcast_in_dim3A_106 = vector.broadcast %broadcast_in_dim3A_105 : i1 to vector<16xi1>
        %masked_cumsum3A = tpu.scan <sum>, %convert_element_type3A masked %broadcast_in_dim3A_106 : vector<16xi32>, vector<16xi1> -> vector<16xi32>
        %sub3A_107 = arith.subi %masked_cumsum3A, %convert_element_type3A : vector<16xi32>
        %broadcast_in_dim3A_108 = vector.broadcast %scan3A_99 : i32 to vector<16xi32>
        %add3A_109 = arith.addi %sub3A_107, %broadcast_in_dim3A_108 : vector<16xi32>
        %select_n3A_110 = arith.select %and3A_104, %add3A_109, %broadcast_in_dim3A_33 : vector<16xi1>, vector<16xi32>
        %broadcast_in_dim3A_111 = vector.broadcast %mul3A_101 : i32 to vector<16xi32>
        %add3A_112 = arith.addi %add3A_48, %broadcast_in_dim3A_111 : vector<16xi32>
        %select_n3A_113 = arith.select %and3A_104, %add3A_112, %broadcast_in_dim3A_27 : vector<16xi1>, vector<16xi32>
        tpu.vector_store_idx %arg7[%select_n3A_110], %select_n3A_113 : memref<20032xi32, #tpu.memory_space<vmem>>[vector<16xi32>], vector<16xi32>,
        %select_n3A_114 = arith.select %and3A_104, %sub3A_103, %broadcast_in_dim3A_31 : vector<16xi1>, vector<16xi32>
        tpu.vector_store_idx %arg8[%select_n3A_110], %select_n3A_114 : memref<20032xi32, #tpu.memory_space<vmem>>[vector<16xi32>], vector<16xi32>,
        %reduce_max3A = arith.constant true
        %reduce_max3A_115 = vector.broadcast %reduce_max3A : i1 to vector<16xi1>
        %reduce_max3A_116 = arith.constant -2147483648 : i32
        %reduce_max3A_117 = vector.broadcast %reduce_max3A_116 : i32 to vector<16xi32>
        %reduce_max3A_118 = arith.xori %masked_cumsum3A, %reduce_max3A_117 : vector<16xi32>
        %reduce_max3A_119 = tpu.scan <max>, %reduce_max3A_118 masked %reduce_max3A_115 : vector<16xi32>, vector<16xi1> -> vector<16xi32>
        %reduce_max3A_120 = arith.xori %reduce_max3A_119, %reduce_max3A_117 : vector<16xi32>
        %reduce_max3A_121 = vector.extract %reduce_max3A_120[15] : i32 from vector<16xi32>
        %add3A_122 = arith.addi %scan3A_99, %reduce_max3A_121 : i32
        scf.yield %add3A_122 : i32
      }
      %scan3A_55 = arith.constant 1250 : i32
      %add3A_56 = arith.constant 0 : i32
      %add3A_57 = arith.addi %scan3A_54, %add3A_56 : i32
      %broadcast_in_dim3A_58 = vector.broadcast %add3A_57 : i32 to vector<16xi32>
      %add3A_59 = arith.addi %broadcast_in_dim3A_58, %iota3A : vector<16xi32>
      tpu.vector_store_idx %arg7[%add3A_59], %broadcast_in_dim3A_27 : memref<20032xi32, #tpu.memory_space<vmem>>[vector<16xi32>], vector<16xi32>,
      tpu.vector_store_idx %arg8[%add3A_59], %broadcast_in_dim3A_31 : memref<20032xi32, #tpu.memory_space<vmem>>[vector<16xi32>], vector<16xi32>,
      %add3A_60 = arith.constant 16 : i32
      %add3A_61 = arith.addi %scan3A_54, %add3A_60 : i32
      %sub3A = arith.constant 1 : i32
      %sub3A_62 = arith.subi %add3A_61, %sub3A : i32
      %jit3A = arith.constant 16 : i32
      %div3A = arith.divsi %sub3A_62, %jit3A : i32
      %sign3A = arith.constant 0 : i32
      %sign3A_63 = arith.cmpi sgt, %sub3A_62, %sign3A : i32
      %sign3A_64 = arith.extui %sign3A_63 : i1 to i32
      %sign3A_65 = arith.constant 0 : i32
      %sign3A_66 = arith.cmpi slt, %sub3A_62, %sign3A_65 : i32
      %sign3A_67 = arith.extui %sign3A_66 : i1 to i32
      %sign3A_68 = arith.subi %sign3A_64, %sign3A_67 : i32
      %sign3A_69 = arith.constant 0 : i32
      %sign3A_70 = arith.cmpi sgt, %jit3A, %sign3A_69 : i32
      %sign3A_71 = arith.extui %sign3A_70 : i1 to i32
      %sign3A_72 = arith.constant 0 : i32
      %sign3A_73 = arith.cmpi slt, %jit3A, %sign3A_72 : i32
      %sign3A_74 = arith.extui %sign3A_73 : i1 to i32
      %sign3A_75 = arith.subi %sign3A_71, %sign3A_74 : i32
      %ne3A = arith.cmpi ne, %sign3A_68, %sign3A_75 : i32
      %rem3A = arith.remsi %sub3A_62, %jit3A : i32
      %ne3A_76 = arith.constant 0 : i32
      %ne3A_77 = arith.cmpi ne, %rem3A, %ne3A_76 : i32
      %and3A = arith.andi %ne3A, %ne3A_77 : i1
      %sub3A_78 = arith.constant 1 : i32
      %sub3A_79 = arith.subi %div3A, %sub3A_78 : i32
      %select_n3A = arith.select %and3A, %sub3A_79, %div3A : i32
      %while3A = arith.constant 0 : i32
      %while3A_80 = arith.constant 0 : i32
      %while3A_81 = arith.subi %select_n3A, %while3A_80 : i32
      %while3A_82 = arith.addi %while3A_80, %while3A_81 : i32
      %while3A_83 = arith.constant 1 : i32
      %while3A_84 = arith.divsi %while3A_81, %while3A_83 : i32
      %while3A_85 = arith.muli %while3A_84, %while3A_83 : i32
      %while3A_86 = arith.addi %while3A_80, %while3A_85 : i32
      %while3A_87 = arith.constant 1 : i32
      scf.for %while3A_98 = %while3A_80 to %while3A_86 step %while3A_87  : i32 {
        %mul3A_99 = arith.constant 16 : i32
        %mul3A_100 = arith.muli %while3A_98, %mul3A_99 : i32
        %get3A = arith.index_cast %mul3A_100 : i32 to index
        %get3A_101 = tpu.vector_load %arg7[%get3A] {strides = array<i32>} : memref<20032xi32, #tpu.memory_space<vmem>>, vector<16xi32>,
        %get3A_102 = arith.index_cast %mul3A_100 : i32 to index
        %get3A_103 = tpu.vector_load %arg8[%get3A_102] {strides = array<i32>} : memref<20032xi32, #tpu.memory_space<vmem>>, vector<16xi32>,
        %dma_start3A = arith.constant 0 : i32
        %dma_start3A_104 = arith.constant 0 : i32
        %dma_start3A_105 = tpu.memref_slice %arg2[%dma_start3A, %dma_start3A_104] : memref<320000x128xf32, #tpu.memory_space<hbm>> -> memref<320000x128xf32, #tpu.memory_space<hbm>>
        tpu.enqueue_indirect_dma source(%dma_start3A_105 : memref<320000x128xf32, #tpu.memory_space<hbm>>) target(%arg11 : memref<16x128xf32, #tpu.memory_space<vmem>>) offsets(%get3A_101 : vector<16xi32>) semaphore(%arg17 : memref<!tpu.dma_semaphore, #tpu.memory_space<semaphore_mem>>)
        %dma_wait3A = arith.constant 0 : i32
        %dma_wait3A_106 = arith.constant 0 : i32
        %dma_wait3A_107 = tpu.memref_slice %arg2[%dma_wait3A, %dma_wait3A_106] : memref<320000x128xf32, #tpu.memory_space<hbm>> -> memref<320000x128xf32, #tpu.memory_space<hbm>>
        tpu.wait_indirect_dma semaphore(%arg17 : memref<!tpu.dma_semaphore, #tpu.memory_space<semaphore_mem>>) src(%dma_wait3A_107 : memref<320000x128xf32, #tpu.memory_space<hbm>>) dst(%arg11 : memref<16x128xf32, #tpu.memory_space<vmem>>)
        "tpu.region"() ({
          %run_scoped3A = tpu.sem_alloc : memref<!tpu.dma_semaphore, #tpu.memory_space<semaphore_mem>>
          %dma_start3A_108 = arith.constant 0 : i32
          %dma_start3A_109 = arith.constant 0 : i32
          %dma_start3A_110 = tpu.memref_slice %arg15[%dma_start3A_108, %dma_start3A_109] : memref<2056x128xf32, #tpu.memory_space<vmem_shared>> -> memref<2056x128xf32, #tpu.memory_space<vmem_shared>>
          tpu.enqueue_indirect_dma source(%arg11 : memref<16x128xf32, #tpu.memory_space<vmem>>) target(%dma_start3A_110 : memref<2056x128xf32, #tpu.memory_space<vmem_shared>>) offsets(%get3A_103 : vector<16xi32>) semaphore(%run_scoped3A : memref<!tpu.dma_semaphore, #tpu.memory_space<semaphore_mem>>) {add = true}
          %dma_wait3A_111 = arith.constant 0 : i32
          %dma_wait3A_112 = arith.constant 0 : i32
          %dma_wait3A_113 = tpu.memref_slice %arg15[%dma_wait3A_111, %dma_wait3A_112] : memref<2056x128xf32, #tpu.memory_space<vmem_shared>> -> memref<2056x128xf32, #tpu.memory_space<vmem_shared>>
          tpu.wait_indirect_dma semaphore(%run_scoped3A : memref<!tpu.dma_semaphore, #tpu.memory_space<semaphore_mem>>) src(%arg11 : memref<16x128xf32, #tpu.memory_space<vmem>>) dst(%dma_wait3A_113 : memref<2056x128xf32, #tpu.memory_space<vmem_shared>>)
          tpu.yield
        }) : () -> ()
        "tpu.region"() ({
          %run_scoped3A = tpu.sem_alloc : memref<!tpu.dma_semaphore, #tpu.memory_space<semaphore_mem>>
          %dma_start3A_108 = arith.constant 0 : i32
          %dma_start3A_109 = arith.constant 0 : i32
          %dma_start3A_110 = tpu.memref_slice %arg16[%dma_start3A_108, %dma_start3A_109] : memref<2056x16xf32, #tpu.memory_space<vmem_shared>> -> memref<2056x16xf32, #tpu.memory_space<vmem_shared>>
          tpu.enqueue_indirect_dma source(%arg12 : memref<16x16xf32, #tpu.memory_space<vmem>>) target(%dma_start3A_110 : memref<2056x16xf32, #tpu.memory_space<vmem_shared>>) offsets(%get3A_103 : vector<16xi32>) semaphore(%run_scoped3A : memref<!tpu.dma_semaphore, #tpu.memory_space<semaphore_mem>>) {add = true}
          %dma_wait3A_111 = arith.constant 0 : i32
          %dma_wait3A_112 = arith.constant 0 : i32
          %dma_wait3A_113 = tpu.memref_slice %arg16[%dma_wait3A_111, %dma_wait3A_112] : memref<2056x16xf32, #tpu.memory_space<vmem_shared>> -> memref<2056x16xf32, #tpu.memory_space<vmem_shared>>
          tpu.wait_indirect_dma semaphore(%run_scoped3A : memref<!tpu.dma_semaphore, #tpu.memory_space<semaphore_mem>>) src(%arg12 : memref<16x16xf32, #tpu.memory_space<vmem>>) dst(%dma_wait3A_113 : memref<2056x16xf32, #tpu.memory_space<vmem_shared>>)
          tpu.yield
        }) : () -> ()
      }
      %while3A_88 = arith.constant 1 : i32
      scf.for %while3A_98 = %while3A_86 to %while3A_82 step %while3A_88  : i32 {
        %mul3A_99 = arith.constant 16 : i32
        %mul3A_100 = arith.muli %while3A_98, %mul3A_99 : i32
        %get3A = arith.index_cast %mul3A_100 : i32 to index
        %get3A_101 = tpu.vector_load %arg7[%get3A] {strides = array<i32>} : memref<20032xi32, #tpu.memory_space<vmem>>, vector<16xi32>,
        %get3A_102 = arith.index_cast %mul3A_100 : i32 to index
        %get3A_103 = tpu.vector_load %arg8[%get3A_102] {strides = array<i32>} : memref<20032xi32, #tpu.memory_space<vmem>>, vector<16xi32>,
        %dma_start3A = arith.constant 0 : i32
        %dma_start3A_104 = arith.constant 0 : i32
        %dma_start3A_105 = tpu.memref_slice %arg2[%dma_start3A, %dma_start3A_104] : memref<320000x128xf32, #tpu.memory_space<hbm>> -> memref<320000x128xf32, #tpu.memory_space<hbm>>
        tpu.enqueue_indirect_dma source(%dma_start3A_105 : memref<320000x128xf32, #tpu.memory_space<hbm>>) target(%arg11 : memref<16x128xf32, #tpu.memory_space<vmem>>) offsets(%get3A_101 : vector<16xi32>) semaphore(%arg17 : memref<!tpu.dma_semaphore, #tpu.memory_space<semaphore_mem>>)
        %dma_wait3A = arith.constant 0 : i32
        %dma_wait3A_106 = arith.constant 0 : i32
        %dma_wait3A_107 = tpu.memref_slice %arg2[%dma_wait3A, %dma_wait3A_106] : memref<320000x128xf32, #tpu.memory_space<hbm>> -> memref<320000x128xf32, #tpu.memory_space<hbm>>
        tpu.wait_indirect_dma semaphore(%arg17 : memref<!tpu.dma_semaphore, #tpu.memory_space<semaphore_mem>>) src(%dma_wait3A_107 : memref<320000x128xf32, #tpu.memory_space<hbm>>) dst(%arg11 : memref<16x128xf32, #tpu.memory_space<vmem>>)
        "tpu.region"() ({
          %run_scoped3A = tpu.sem_alloc : memref<!tpu.dma_semaphore, #tpu.memory_space<semaphore_mem>>
          %dma_start3A_108 = arith.constant 0 : i32
          %dma_start3A_109 = arith.constant 0 : i32
          %dma_start3A_110 = tpu.memref_slice %arg15[%dma_start3A_108, %dma_start3A_109] : memref<2056x128xf32, #tpu.memory_space<vmem_shared>> -> memref<2056x128xf32, #tpu.memory_space<vmem_shared>>
          tpu.enqueue_indirect_dma source(%arg11 : memref<16x128xf32, #tpu.memory_space<vmem>>) target(%dma_start3A_110 : memref<2056x128xf32, #tpu.memory_space<vmem_shared>>) offsets(%get3A_103 : vector<16xi32>) semaphore(%run_scoped3A : memref<!tpu.dma_semaphore, #tpu.memory_space<semaphore_mem>>) {add = true}
          %dma_wait3A_111 = arith.constant 0 : i32
          %dma_wait3A_112 = arith.constant 0 : i32
          %dma_wait3A_113 = tpu.memref_slice %arg15[%dma_wait3A_111, %dma_wait3A_112] : memref<2056x128xf32, #tpu.memory_space<vmem_shared>> -> memref<2056x128xf32, #tpu.memory_space<vmem_shared>>
          tpu.wait_indirect_dma semaphore(%run_scoped3A : memref<!tpu.dma_semaphore, #tpu.memory_space<semaphore_mem>>) src(%arg11 : memref<16x128xf32, #tpu.memory_space<vmem>>) dst(%dma_wait3A_113 : memref<2056x128xf32, #tpu.memory_space<vmem_shared>>)
          tpu.yield
        }) : () -> ()
        "tpu.region"() ({
          %run_scoped3A = tpu.sem_alloc : memref<!tpu.dma_semaphore, #tpu.memory_space<semaphore_mem>>
          %dma_start3A_108 = arith.constant 0 : i32
          %dma_start3A_109 = arith.constant 0 : i32
          %dma_start3A_110 = tpu.memref_slice %arg16[%dma_start3A_108, %dma_start3A_109] : memref<2056x16xf32, #tpu.memory_space<vmem_shared>> -> memref<2056x16xf32, #tpu.memory_space<vmem_shared>>
          tpu.enqueue_indirect_dma source(%arg12 : memref<16x16xf32, #tpu.memory_space<vmem>>) target(%dma_start3A_110 : memref<2056x16xf32, #tpu.memory_space<vmem_shared>>) offsets(%get3A_103 : vector<16xi32>) semaphore(%run_scoped3A : memref<!tpu.dma_semaphore, #tpu.memory_space<semaphore_mem>>) {add = true}
          %dma_wait3A_111 = arith.constant 0 : i32
          %dma_wait3A_112 = arith.constant 0 : i32
          %dma_wait3A_113 = tpu.memref_slice %arg16[%dma_wait3A_111, %dma_wait3A_112] : memref<2056x16xf32, #tpu.memory_space<vmem_shared>> -> memref<2056x16xf32, #tpu.memory_space<vmem_shared>>
          tpu.wait_indirect_dma semaphore(%run_scoped3A : memref<!tpu.dma_semaphore, #tpu.memory_space<semaphore_mem>>) src(%arg12 : memref<16x16xf32, #tpu.memory_space<vmem>>) dst(%dma_wait3A_113 : memref<2056x16xf32, #tpu.memory_space<vmem_shared>>)
          tpu.yield
        }) : () -> ()
      }
      %barrier3A_89 = arith.constant 0 : index
      tpu.barrier barrier_id(%barrier3A_89)
      %add3A_90 = arith.addi %add3A_45, %mul3A_22 : i32
      "tpu.region"() ({
        %run_scoped3A = tpu.sem_alloc : memref<!tpu.dma_semaphore, #tpu.memory_space<semaphore_mem>>
        %dma_start3A = arith.constant 0 : i32
        %dma_start3A_98 = tpu.memref_slice %arg4[%add3A_90, %dma_start3A] : memref<262144x128xf32, #tpu.memory_space<hbm>> -> memref<64x128xf32, #tpu.memory_space<hbm>>
        %dma_start3A_99 = arith.constant 0 : i32
        %dma_start3A_100 = tpu.memref_slice %arg15[%mul3A_22, %dma_start3A_99] : memref<2056x128xf32, #tpu.memory_space<vmem_shared>> -> memref<64x128xf32, #tpu.memory_space<vmem_shared>>
        tpu.enqueue_dma source(%dma_start3A_100 : memref<64x128xf32, #tpu.memory_space<vmem_shared>>) target(%dma_start3A_98 : memref<64x128xf32, #tpu.memory_space<hbm>>) target_semaphore(%run_scoped3A : memref<!tpu.dma_semaphore, #tpu.memory_space<semaphore_mem>>)
        %dma_wait3A = arith.constant 0 : i32
        %dma_wait3A_101 = tpu.memref_slice %arg4[%add3A_90, %dma_wait3A] : memref<262144x128xf32, #tpu.memory_space<hbm>> -> memref<64x128xf32, #tpu.memory_space<hbm>>
        %dma_wait3A_102 = arith.constant 0 : i32
        %dma_wait3A_103 = tpu.memref_slice %arg15[%mul3A_22, %dma_wait3A_102] : memref<2056x128xf32, #tpu.memory_space<vmem_shared>> -> memref<64x128xf32, #tpu.memory_space<vmem_shared>>
        tpu.wait_dma2 semaphore(%run_scoped3A : memref<!tpu.dma_semaphore, #tpu.memory_space<semaphore_mem>>) src(%dma_wait3A_103 : memref<64x128xf32, #tpu.memory_space<vmem_shared>>) dst(%dma_wait3A_101 : memref<64x128xf32, #tpu.memory_space<hbm>>)
        tpu.yield
      }) : () -> ()
      %add3A_91 = arith.constant 64 : i32
      %add3A_92 = arith.addi %mul3A_22, %add3A_91 : i32
      %add3A_93 = arith.constant 64 : i32
      %add3A_94 = arith.addi %add3A_90, %add3A_93 : i32
      "tpu.region"() ({
        %run_scoped3A = tpu.sem_alloc : memref<!tpu.dma_semaphore, #tpu.memory_space<semaphore_mem>>
        %dma_start3A = arith.constant 0 : i32
        %dma_start3A_98 = tpu.memref_slice %arg4[%add3A_94, %dma_start3A] : memref<262144x128xf32, #tpu.memory_space<hbm>> -> memref<64x128xf32, #tpu.memory_space<hbm>>
        %dma_start3A_99 = arith.constant 0 : i32
        %dma_start3A_100 = tpu.memref_slice %arg15[%add3A_92, %dma_start3A_99] : memref<2056x128xf32, #tpu.memory_space<vmem_shared>> -> memref<64x128xf32, #tpu.memory_space<vmem_shared>>
        tpu.enqueue_dma source(%dma_start3A_100 : memref<64x128xf32, #tpu.memory_space<vmem_shared>>) target(%dma_start3A_98 : memref<64x128xf32, #tpu.memory_space<hbm>>) target_semaphore(%run_scoped3A : memref<!tpu.dma_semaphore, #tpu.memory_space<semaphore_mem>>)
        %dma_wait3A = arith.constant 0 : i32
        %dma_wait3A_101 = tpu.memref_slice %arg4[%add3A_94, %dma_wait3A] : memref<262144x128xf32, #tpu.memory_space<hbm>> -> memref<64x128xf32, #tpu.memory_space<hbm>>
        %dma_wait3A_102 = arith.constant 0 : i32
        %dma_wait3A_103 = tpu.memref_slice %arg15[%add3A_92, %dma_wait3A_102] : memref<2056x128xf32, #tpu.memory_space<vmem_shared>> -> memref<64x128xf32, #tpu.memory_space<vmem_shared>>
        tpu.wait_dma2 semaphore(%run_scoped3A : memref<!tpu.dma_semaphore, #tpu.memory_space<semaphore_mem>>) src(%dma_wait3A_103 : memref<64x128xf32, #tpu.memory_space<vmem_shared>>) dst(%dma_wait3A_101 : memref<64x128xf32, #tpu.memory_space<hbm>>)
        tpu.yield
      }) : () -> ()
      "tpu.region"() ({
        %run_scoped3A = tpu.sem_alloc : memref<!tpu.dma_semaphore, #tpu.memory_space<semaphore_mem>>
        %dma_start3A = arith.constant 0 : i32
        %dma_start3A_98 = tpu.memref_slice %arg5[%add3A_90, %dma_start3A] : memref<262144x16xf32, #tpu.memory_space<hbm>> -> memref<128x16xf32, #tpu.memory_space<hbm>>
        %dma_start3A_99 = arith.constant 0 : i32
        %dma_start3A_100 = tpu.memref_slice %arg16[%mul3A_22, %dma_start3A_99] : memref<2056x16xf32, #tpu.memory_space<vmem_shared>> -> memref<128x16xf32, #tpu.memory_space<vmem_shared>>
        tpu.enqueue_dma source(%dma_start3A_100 : memref<128x16xf32, #tpu.memory_space<vmem_shared>>) target(%dma_start3A_98 : memref<128x16xf32, #tpu.memory_space<hbm>>) target_semaphore(%run_scoped3A : memref<!tpu.dma_semaphore, #tpu.memory_space<semaphore_mem>>)
        %dma_wait3A = arith.constant 0 : i32
        %dma_wait3A_101 = tpu.memref_slice %arg5[%add3A_90, %dma_wait3A] : memref<262144x16xf32, #tpu.memory_space<hbm>> -> memref<128x16xf32, #tpu.memory_space<hbm>>
        %dma_wait3A_102 = arith.constant 0 : i32
        %dma_wait3A_103 = tpu.memref_slice %arg16[%mul3A_22, %dma_wait3A_102] : memref<2056x16xf32, #tpu.memory_space<vmem_shared>> -> memref<128x16xf32, #tpu.memory_space<vmem_shared>>
        tpu.wait_dma2 semaphore(%run_scoped3A : memref<!tpu.dma_semaphore, #tpu.memory_space<semaphore_mem>>) src(%dma_wait3A_103 : memref<128x16xf32, #tpu.memory_space<vmem_shared>>) dst(%dma_wait3A_101 : memref<128x16xf32, #tpu.memory_space<hbm>>)
        tpu.yield
      }) : () -> ()
      "tpu.region"() ({
        %run_scoped3A = tpu.sem_alloc : memref<!tpu.dma_semaphore, #tpu.memory_space<semaphore_mem>>
        %dma_start3A = arith.constant 0 : i32
        %dma_start3A_98 = tpu.memref_slice %arg15[%mul3A_22, %dma_start3A] : memref<2056x128xf32, #tpu.memory_space<vmem_shared>> -> memref<64x128xf32, #tpu.memory_space<vmem_shared>>
        %dma_start3A_99 = arith.constant 0 : i32
        %dma_start3A_100 = tpu.memref_slice %arg15[%mul3A_22, %dma_start3A_99] : memref<2056x128xf32, #tpu.memory_space<vmem_shared>> -> memref<64x128xf32, #tpu.memory_space<vmem_shared>>
        tpu.enqueue_dma source(%arg13 : memref<64x128xf32, #tpu.memory_space<vmem>>) target(%dma_start3A_100 : memref<64x128xf32, #tpu.memory_space<vmem_shared>>) target_semaphore(%run_scoped3A : memref<!tpu.dma_semaphore, #tpu.memory_space<semaphore_mem>>)
        %dma_wait3A = arith.constant 0 : i32
        %dma_wait3A_101 = tpu.memref_slice %arg15[%mul3A_22, %dma_wait3A] : memref<2056x128xf32, #tpu.memory_space<vmem_shared>> -> memref<64x128xf32, #tpu.memory_space<vmem_shared>>
        %dma_wait3A_102 = arith.constant 0 : i32
        %dma_wait3A_103 = tpu.memref_slice %arg15[%mul3A_22, %dma_wait3A_102] : memref<2056x128xf32, #tpu.memory_space<vmem_shared>> -> memref<64x128xf32, #tpu.memory_space<vmem_shared>>
        tpu.wait_dma2 semaphore(%run_scoped3A : memref<!tpu.dma_semaphore, #tpu.memory_space<semaphore_mem>>) src(%arg13 : memref<64x128xf32, #tpu.memory_space<vmem>>) dst(%dma_wait3A_103 : memref<64x128xf32, #tpu.memory_space<vmem_shared>>)
        tpu.yield
      }) : () -> ()
      %add3A_95 = arith.constant 64 : i32
      %add3A_96 = arith.addi %mul3A_22, %add3A_95 : i32
      "tpu.region"() ({
        %run_scoped3A = tpu.sem_alloc : memref<!tpu.dma_semaphore, #tpu.memory_space<semaphore_mem>>
        %dma_start3A = arith.constant 0 : i32
        %dma_start3A_98 = tpu.memref_slice %arg15[%add3A_96, %dma_start3A] : memref<2056x128xf32, #tpu.memory_space<vmem_shared>> -> memref<64x128xf32, #tpu.memory_space<vmem_shared>>
        %dma_start3A_99 = arith.constant 0 : i32
        %dma_start3A_100 = tpu.memref_slice %arg15[%add3A_96, %dma_start3A_99] : memref<2056x128xf32, #tpu.memory_space<vmem_shared>> -> memref<64x128xf32, #tpu.memory_space<vmem_shared>>
        tpu.enqueue_dma source(%arg13 : memref<64x128xf32, #tpu.memory_space<vmem>>) target(%dma_start3A_100 : memref<64x128xf32, #tpu.memory_space<vmem_shared>>) target_semaphore(%run_scoped3A : memref<!tpu.dma_semaphore, #tpu.memory_space<semaphore_mem>>)
        %dma_wait3A = arith.constant 0 : i32
        %dma_wait3A_101 = tpu.memref_slice %arg15[%add3A_96, %dma_wait3A] : memref<2056x128xf32, #tpu.memory_space<vmem_shared>> -> memref<64x128xf32, #tpu.memory_space<vmem_shared>>
        %dma_wait3A_102 = arith.constant 0 : i32
        %dma_wait3A_103 = tpu.memref_slice %arg15[%add3A_96, %dma_wait3A_102] : memref<2056x128xf32, #tpu.memory_space<vmem_shared>> -> memref<64x128xf32, #tpu.memory_space<vmem_shared>>
        tpu.wait_dma2 semaphore(%run_scoped3A : memref<!tpu.dma_semaphore, #tpu.memory_space<semaphore_mem>>) src(%arg13 : memref<64x128xf32, #tpu.memory_space<vmem>>) dst(%dma_wait3A_103 : memref<64x128xf32, #tpu.memory_space<vmem_shared>>)
        tpu.yield
      }) : () -> ()
      "tpu.region"() ({
        %run_scoped3A = tpu.sem_alloc : memref<!tpu.dma_semaphore, #tpu.memory_space<semaphore_mem>>
        %dma_start3A = arith.constant 0 : i32
        %dma_start3A_98 = tpu.memref_slice %arg16[%mul3A_22, %dma_start3A] : memref<2056x16xf32, #tpu.memory_space<vmem_shared>> -> memref<128x16xf32, #tpu.memory_space<vmem_shared>>
        %dma_start3A_99 = arith.constant 0 : i32
        %dma_start3A_100 = tpu.memref_slice %arg16[%mul3A_22, %dma_start3A_99] : memref<2056x16xf32, #tpu.memory_space<vmem_shared>> -> memref<128x16xf32, #tpu.memory_space<vmem_shared>>
        tpu.enqueue_dma source(%arg14 : memref<128x16xf32, #tpu.memory_space<vmem>>) target(%dma_start3A_100 : memref<128x16xf32, #tpu.memory_space<vmem_shared>>) target_semaphore(%run_scoped3A : memref<!tpu.dma_semaphore, #tpu.memory_space<semaphore_mem>>)
        %dma_wait3A = arith.constant 0 : i32
        %dma_wait3A_101 = tpu.memref_slice %arg16[%mul3A_22, %dma_wait3A] : memref<2056x16xf32, #tpu.memory_space<vmem_shared>> -> memref<128x16xf32, #tpu.memory_space<vmem_shared>>
        %dma_wait3A_102 = arith.constant 0 : i32
        %dma_wait3A_103 = tpu.memref_slice %arg16[%mul3A_22, %dma_wait3A_102] : memref<2056x16xf32, #tpu.memory_space<vmem_shared>> -> memref<128x16xf32, #tpu.memory_space<vmem_shared>>
        tpu.wait_dma2 semaphore(%run_scoped3A : memref<!tpu.dma_semaphore, #tpu.memory_space<semaphore_mem>>) src(%arg14 : memref<128x16xf32, #tpu.memory_space<vmem>>) dst(%dma_wait3A_103 : memref<128x16xf32, #tpu.memory_space<vmem_shared>>)
        tpu.yield
      }) : () -> ()
      %barrier3A_97 = arith.constant 0 : index
      tpu.barrier barrier_id(%barrier3A_97)
    }
    %scan3A_39 = arith.constant 64 : i32
    return
  }
}

module attributes {stable_mosaic.version = 14 : i64} {
  func.func @body(%arg0: i32, %arg1: memref<1024x128xf32, #tpu.memory_space<vmem>>, %arg2: memref<256x128xf32, #tpu.memory_space<vmem>>, %arg3: memref<1x256xf32, #tpu.memory_space<vmem>>, %arg4: memref<1x256xf32, #tpu.memory_space<vmem>>, %arg5: memref<1x256xf32, #tpu.memory_space<vmem>>, %arg6: memref<1024x16xf32, #tpu.memory_space<vmem>>, %arg7: memref<1024x256xf32, #tpu.memory_space<vmem>>) attributes {dimension_semantics = [#tpu.dimension_semantics<arbitrary>], iteration_bounds = array<i64: 256>, scalar_prefetch = 0 : i64, scratch_operands = 0 : i64, tpu.core_type = #tpu.core_type<tc>, window_params = [{transform_indices = @transform_0, window_bounds = array<i64: 1024, 128>}, {pipeline_mode = #tpu.pipeline_mode<synchronous>, transform_indices = @transform_1, window_bounds = array<i64: 256, 128>}, {pipeline_mode = #tpu.pipeline_mode<synchronous>, transform_indices = @transform_2, window_bounds = array<i64: 1, 256>}, {pipeline_mode = #tpu.pipeline_mode<synchronous>, transform_indices = @transform_3, window_bounds = array<i64: 1, 256>}, {pipeline_mode = #tpu.pipeline_mode<synchronous>, transform_indices = @transform_4, window_bounds = array<i64: 1, 256>}, {transform_indices = @transform_5, window_bounds = array<i64: 1024, 16>}, {transform_indices = @transform_6, window_bounds = array<i64: 1024, 256>}]} {
    %get3A = arith.constant 0 : index
    %get3A_0 = arith.constant 0 : index
    %get3A_1 = vector.load %arg1[%get3A, %get3A_0] : memref<1024x128xf32, #tpu.memory_space<vmem>>, vector<1024x128xf32>
    %get3A_2 = arith.constant 0 : index
    %get3A_3 = arith.constant 0 : index
    %get3A_4 = vector.load %arg2[%get3A_2, %get3A_3] : memref<256x128xf32, #tpu.memory_space<vmem>>, vector<256x128xf32>
    %dot_general3A = arith.constant dense<0.000000e+00> : vector<1024x256xf32>
    %dot_general3A_5 = tpu.matmul %get3A_1, %get3A_4, %dot_general3A {dimension_numbers = #tpu.dot_dimension_numbers<[1], [1], [0], [0], [0, 0, 1, 0], [], []>, transpose_lhs_hint = false} : vector<1024x128xf32>, vector<256x128xf32>, vector<1024x256xf32> -> vector<1024x256xf32>
    %get3A_6 = arith.constant 0 : index
    %get3A_7 = arith.constant 0 : index
    %get3A_8 = vector.load %arg6[%get3A_6, %get3A_7] : memref<1024x16xf32, #tpu.memory_space<vmem>>, vector<1024x1xf32>
    %get3A_9 = arith.constant 0 : index
    %get3A_10 = arith.constant 0 : index
    %get3A_11 = vector.load %arg3[%get3A_9, %get3A_10] : memref<1x256xf32, #tpu.memory_space<vmem>>, vector<1x256xf32>
    %mul3A = vector.broadcast %get3A_8 : vector<1024x1xf32> to vector<1024x256xf32>
    %mul3A_12 = vector.broadcast %get3A_11 : vector<1x256xf32> to vector<1024x256xf32>
    %mul3A_13 = arith.mulf %mul3A, %mul3A_12 : vector<1024x256xf32>
    %add3A = arith.addf %dot_general3A_5, %mul3A_13 : vector<1024x256xf32>
    %reduce_sum3A = arith.constant dense<0.000000e+00> : vector<1024xf32>
    %reduce_sum3A_14 = vector.multi_reduction <add>, %add3A, %reduce_sum3A [1] : vector<1024x256xf32> to vector<1024xf32>
    %broadcast_in_dim3A = vector.shape_cast %reduce_sum3A_14 : vector<1024xf32> to vector<1024x1xf32>
    %div3A = arith.constant 2.560000e+02 : f32
    %div3A_15 = vector.broadcast %div3A : f32 to vector<1024x1xf32>
    %div3A_16 = arith.divf %broadcast_in_dim3A, %div3A_15 : vector<1024x1xf32>
    %sub3A = vector.broadcast %div3A_16 : vector<1024x1xf32> to vector<1024x256xf32>
    %sub3A_17 = arith.subf %add3A, %sub3A : vector<1024x256xf32>
    %mul3A_18 = arith.mulf %sub3A_17, %sub3A_17 : vector<1024x256xf32>
    %reduce_sum3A_19 = arith.constant dense<0.000000e+00> : vector<1024xf32>
    %reduce_sum3A_20 = vector.multi_reduction <add>, %mul3A_18, %reduce_sum3A_19 [1] : vector<1024x256xf32> to vector<1024xf32>
    %broadcast_in_dim3A_21 = vector.shape_cast %reduce_sum3A_20 : vector<1024xf32> to vector<1024x1xf32>
    %div3A_22 = arith.constant 2.560000e+02 : f32
    %div3A_23 = vector.broadcast %div3A_22 : f32 to vector<1024x1xf32>
    %div3A_24 = arith.divf %broadcast_in_dim3A_21, %div3A_23 : vector<1024x1xf32>
    %add3A_25 = arith.constant 9.99999974E-6 : f32
    %add3A_26 = vector.broadcast %add3A_25 : f32 to vector<1024x1xf32>
    %add3A_27 = arith.addf %div3A_24, %add3A_26 : vector<1024x1xf32>
    %rsqrt3A = math.rsqrt %add3A_27 : vector<1024x1xf32>
    %mul3A_28 = vector.broadcast %rsqrt3A : vector<1024x1xf32> to vector<1024x256xf32>
    %mul3A_29 = arith.mulf %sub3A_17, %mul3A_28 : vector<1024x256xf32>
    %get3A_30 = arith.constant 0 : index
    %get3A_31 = arith.constant 0 : index
    %get3A_32 = vector.load %arg4[%get3A_30, %get3A_31] : memref<1x256xf32, #tpu.memory_space<vmem>>, vector<1x256xf32>
    %mul3A_33 = vector.broadcast %get3A_32 : vector<1x256xf32> to vector<1024x256xf32>
    %mul3A_34 = arith.mulf %mul3A_29, %mul3A_33 : vector<1024x256xf32>
    %get3A_35 = arith.constant 0 : index
    %get3A_36 = arith.constant 0 : index
    %get3A_37 = vector.load %arg5[%get3A_35, %get3A_36] : memref<1x256xf32, #tpu.memory_space<vmem>>, vector<1x256xf32>
    %add3A_38 = vector.broadcast %get3A_37 : vector<1x256xf32> to vector<1024x256xf32>
    %add3A_39 = arith.addf %mul3A_34, %add3A_38 : vector<1024x256xf32>
    %swap3A = arith.constant 0 : index
    %swap3A_40 = arith.constant 0 : index
    %swap3A_41 = vector.load %arg7[%swap3A, %swap3A_40] : memref<1024x256xf32, #tpu.memory_space<vmem>>, vector<1024x256xf32>
    tpu.vector_store %arg7[%swap3A, %swap3A_40], %add3A_39 {strides = array<i32>} : memref<1024x256xf32, #tpu.memory_space<vmem>>, vector<1024x256xf32>,
    return
  }
  func.func @transform_0(%arg0: i32) -> (i32, i32) {
    %c0_i32 = arith.constant 0 : i32
    %c0_i32_0 = arith.constant 0 : i32
    return %arg0, %c0_i32 : i32, i32
  }
  func.func @transform_1(%arg0: i32) -> (i32, i32) {
    %c0_i32 = arith.constant 0 : i32
    %c0_i32_0 = arith.constant 0 : i32
    %c0_i32_1 = arith.constant 0 : i32
    return %c0_i32, %c0_i32_0 : i32, i32
  }
  func.func @transform_2(%arg0: i32) -> (i32, i32) {
    %c0_i32 = arith.constant 0 : i32
    %c0_i32_0 = arith.constant 0 : i32
    %c0_i32_1 = arith.constant 0 : i32
    return %c0_i32, %c0_i32_0 : i32, i32
  }
  func.func @transform_3(%arg0: i32) -> (i32, i32) {
    %c0_i32 = arith.constant 0 : i32
    %c0_i32_0 = arith.constant 0 : i32
    %c0_i32_1 = arith.constant 0 : i32
    return %c0_i32, %c0_i32_0 : i32, i32
  }
  func.func @transform_4(%arg0: i32) -> (i32, i32) {
    %c0_i32 = arith.constant 0 : i32
    %c0_i32_0 = arith.constant 0 : i32
    %c0_i32_1 = arith.constant 0 : i32
    return %c0_i32, %c0_i32_0 : i32, i32
  }
  func.func @transform_5(%arg0: i32) -> (i32, i32) {
    %c0_i32 = arith.constant 0 : i32
    %c0_i32_0 = arith.constant 0 : i32
    return %arg0, %c0_i32 : i32, i32
  }
  func.func @transform_6(%arg0: i32) -> (i32, i32) {
    %c0_i32 = arith.constant 0 : i32
    %c0_i32_0 = arith.constant 0 : i32
    return %arg0, %c0_i32 : i32, i32
  }
}

</mosaic_0001>

<sc_bundles>
// kernel: kernel.4.cloned.1.call-start
scs
__scs_entry_jumppad:
0x0: {  	(pc) =	sbr.rel $0x88, $3  }
0x1: {  	(tag) =	ssettag $0x0;
	lr =	simm.s32 $0x1  }
0x2: {  	[smem:$0x3F9B] =	sst lr;
	_ =	strace $0xD0000000  }
0x3: {  	_ = 	snop  }
0x4: {  	_ = 	snop  }
0x5: {  	_ = 	snop  }
0x6: {  	_ = 	snop  }
0x7: {  	_ = 	snop  }
__scs_overlays_trampoline_lowered:
0x8: {  	[smem:$0x3FAA] =	sst s0  }
0x9: {  	[smem:$0x3FAB] =	sst s1  }
0xa: {  	[smem:$0x3FAC] =	sst s2  }
0xb: {  	[smem:$0x3FAD] =	sst s3  }
0xc: {  	[smem:$0x3FAE] =	sst s4  }
0xd: {  	[smem:$0x3FAF] =	sst s5  }
0xe: {  	[smem:$0x3FB0] =	sst s6  }
0xf: {  	[smem:$0x3FB1] =	sst s7  }
0x10: {  	[smem:$0x3FB2] =	sst s8  }
0x11: {  	[smem:$0x3FB3] =	sst s9;
	s0 =	simm.s32 @!p0 $0x0  }
0x12: {  	s1 =	sld [smem:$0x3F99];
	s0 =	simm.s32 @p0 $0x1  }
0x13: {  	[smem:$0x3FB4] =	sst s0;
	s0 =	simm.s32 @!p1 $0x0  }
0x14: {  	s2 =	sld [smem:$0x3F98];
	s0 =	simm.s32 @p1 $0x1  }
0x15: {  	[smem:$0x3FB5] =	sst s0;
	s0 =	simm.s32 @!p2 $0x0  }
0x16: {  	s3 =	sld [smem:$0x3FDB];
	s0 =	simm.s32 @p2 $0x1  }
0x17: {  	s4 =	simm.s32 $0x1BF5;
	[smem:$0x3FB7] =	sst s0  }
0x18: {  	s0 =	sld [smem:$0x3F9A];
	_ =	swait.ge [sflag:s4], $0x0  }
0x19: {  	s7 =	sld [smem:$0x3F9B]  }
0x1a: {  	s8 =	sadd.s32 $0xFFFFE003, lr  }
0x1b: {  	s9 =	sadd.s32 $0xFFFFFEF7, lr;
	s5 =	simm.s32 $0xFFFFFFFF;
	p2 =	slt.u32 s8, $0xFFFFF086  }
0x1c: {  	p1 =	slt.u32 s9, $0xF7A;
	s5 =	simm.s32 @!p2 $0x0  }
0x1d: {  	s5 =	simm.s32 @p1 $0x1;
	p0 =	seq.s32 s7, s2  }
0x1e: {  	s7 =	smul.u32 @!p0 $0xF7A, s2;
	p2 =	seq.s32 @!p0 s5, $0x0  }
0x1f: {  	s9 =	smul.u32 $0xF7A, s1;
	s8 =	simm.s32 @!p0 $0x1BF5;
	p2 =	por !p2, p0  }
0x20: {  	[sflag:s8] =	ssyncset.s32 @!p0 $0xFFFFF086;
	s6 =	sadd.s32 @!p0 s3, s7;
	s7 =	simm.s32 @!p0 $0x108  }
0x21: {  	s3 =	sadd.s32 s3, s9;
	s6 =	sadd.s32 @!p0 $0x88, s6;
	s7 =	simm.s32 @p2 $0x1082  }
0x22: {  	[simem:s7], [sflag:s8] =	dma.local @!p0 [hbm:s6], $0xF7A  }
0x23: {  	s9 =	sor.u32 $0xD0000000, s2;
	s6 =	simm.s32 $0x108;
	_ =	swait.ge @!p0 [sflag:s8], $0x0  }
0x24: {  	s3 =	sadd.s32 $0x88, s3;
	s6 =	simm.s32 @!p1 $0x1082;
	[sflag:s4] =	ssyncset.s32 $0xFFFFF086  }
0x25: {  	[simem:s6], [sflag:s4] =	dma.local [hbm:s3], $0xF7A  }
0x26: {  	[smem:$0x3F9B] =	sst s1;
	(tag) =	ssettag s2;
	_ =	strace s9  }
0x27: {  	s1 =	sld [smem:$0x3FAB]  }
0x28: {  	s2 =	sld [smem:$0x3FAC]  }
0x29: {  	s4 =	sld [smem:$0x3FAE]  }
0x2a: {  	p0 =	seq.s32 s5, $0x0;
	s5 =	sld [smem:$0x3FAF]  }
0x2b: {  	s6 =	sld [smem:$0x3FB0]  }
0x2c: {  	s7 =	sld [smem:$0x3FB1]  }
0x2d: {  	s3 =	simm.s32 $0x108;
	s8 =	sld [smem:$0x3FB2]  }
0x2e: {  	s3 =	simm.s32 @!p0 $0x1082;
	s9 =	sld [smem:$0x3FB3]  }
0x2f: {  	lr =	sadd.s32 s0, s3;
	s0 =	sld [smem:$0x3FAA]  }
0x30: {  	s3 =	sld [smem:$0x3FAD]  }
0x31: {  	[smem:$0x3FB6] =	sst s10  }
0x32: {  	s10 =	sld [smem:$0x3FB4];
	_ =	sdelay $0x3  }
0x33: {  	p0 =	seq.s32 s10, $0x1;
	s10 =	sld [smem:$0x3FB6];
	_ =	sdelay $0x3  }
0x34: {  	[smem:$0x3FB6] =	sst s10  }
0x35: {  	s10 =	sld [smem:$0x3FB5];
	_ =	sdelay $0x3  }
0x36: {  	p1 =	seq.s32 s10, $0x1;
	s10 =	sld [smem:$0x3FB6];
	_ =	sdelay $0x3  }
0x37: {  	[smem:$0x3FB6] =	sst s10  }
0x38: {  	s10 =	sld [smem:$0x3FB7]  }
0x39: {  	_ = 	snop;
	(pc) =	sbr.ind lr, $3  }
0x3a: {  	_ = 	snop  }
0x3b: {  	_ = 	snop  }
0x3c: {  	p2 =	seq.s32 s10, $0x1;
	s10 =	sld [smem:$0x3FB6]  }
0x3d: {  	_ =	shalt  }
0x3e: {  	_ =	shalt  }
0x3f: {  	_ =	shalt  }
0x40: {  	_ =	shalt  }
0x41: {  	_ =	shalt  }
0x42: {  	_ =	shalt  }
0x43: {  	_ =	shalt  }
0x44: {  	_ =	shalt  }
0x45: {  	_ =	shalt  }
0x46: {  	_ =	shalt  }
0x47: {  	_ =	shalt  }
0x48: {  	_ =	shalt  }
0x49: {  	_ =	shalt  }
0x4a: {  	_ =	shalt  }
0x4b: {  	_ =	shalt  }
0x4c: {  	_ =	shalt  }
0x4d: {  	_ =	shalt  }
0x4e: {  	_ =	shalt  }
0x4f: {  	_ =	shalt  }
0x50: {  	_ =	shalt  }
0x51: {  	_ =	shalt  }
0x52: {  	_ =	shalt  }
0x53: {  	_ =	shalt  }
0x54: {  	_ =	shalt  }
0x55: {  	_ =	shalt  }
0x56: {  	_ =	shalt  }
0x57: {  	_ =	shalt  }
0x58: {  	_ =	shalt  }
0x59: {  	_ =	shalt  }
0x5a: {  	_ =	shalt  }
0x5b: {  	_ =	shalt  }
0x5c: {  	_ =	shalt  }
0x5d: {  	_ =	shalt  }
0x5e: {  	_ =	shalt  }
0x5f: {  	_ =	shalt  }
0x60: {  	_ =	shalt  }
0x61: {  	_ =	shalt  }
0x62: {  	_ =	shalt  }
0x63: {  	_ =	shalt  }
0x64: {  	_ =	shalt  }
0x65: {  	_ =	shalt  }
0x66: {  	_ =	shalt  }
0x67: {  	_ =	shalt  }
0x68: {  	_ =	shalt  }
0x69: {  	_ =	shalt  }
0x6a: {  	_ =	shalt  }
0x6b: {  	_ =	shalt  }
0x6c: {  	_ =	shalt  }
0x6d: {  	_ =	shalt  }
0x6e: {  	_ =	shalt  }
0x6f: {  	_ =	shalt  }
0x70: {  	_ =	shalt  }
0x71: {  	_ =	shalt  }
0x72: {  	_ =	shalt  }
0x73: {  	_ =	shalt  }
0x74: {  	_ =	shalt  }
0x75: {  	_ =	shalt  }
0x76: {  	_ =	shalt  }
0x77: {  	_ =	shalt  }
0x78: {  	_ =	shalt  }
0x79: {  	_ =	shalt  }
0x7a: {  	_ =	shalt  }
0x7b: {  	_ =	shalt  }
0x7c: {  	_ =	shalt  }
0x7d: {  	_ =	shalt  }
0x7e: {  	_ =	shalt  }
0x7f: {  	_ =	shalt  }
0x80: {  	_ =	shalt  }
0x81: {  	_ =	shalt  }
0x82: {  	_ =	shalt  }
0x83: {  	_ =	shalt  }
0x84: {  	_ =	shalt  }
0x85: {  	_ =	shalt  }
0x86: {  	_ =	shalt  }
0x87: {  	_ =	shalt  }
.Lfunc_end0:
.L_simem_size_0:
called_computation_lowered:
.L_overlay_start_0:
0x88: {  	s2 =	sld [smem:$0x3FD9]  }
0x89: {  	s3 =	sld [smem:$0x3FFE];
	_ =	sdelay $0x1  }
0x8a: {  	s1 =	srdreg.scid  }
0x8b: {  	s0 =	sand.u32 $0x1, s1  }
0x8c: {  	s17 =	sshll.u32 s0, $0xA;
	s2 =	sadd.s32 s3, s2  }
0x8d: {  	s2 =	sadd.s32 s2, s17  }
0x8e: {  	[smem:$0x3FC2] =	sst s2  }
0x8f: {  	_ = 	snop  }
0x90: {  	s2 =	sld [smem:$0x3FC9]  }
0x91: {  	s18 =	sld [smem:$0x3FD0];
	(tm) =	ssettm $0x1  }
0x92: {  	s4 =	sld [smem:$0x3FFB];
	_ =	sdelay $0x3  }
0x93: {  	_ =	strace s4  }
0x94: {  	s4 =	sld [smem:$0x3FFC];
	_ =	sdelay $0x3  }
0x95: {  	_ =	strace s4  }
0x96: {  	s4 =	sld [smem:$0x3FFD];
	_ =	sdelay $0x3  }
0x97: {  	_ =	strace s4  }
0x98: {  	_ =	strace $0x8FFFFFFF  }
0x99: {  	s19 =	sld [smem:$0x3FDB];
	_ =	sdelay $0x1  }
0x9a: {  	s5 =	simm.s32 $_scs_section_size  }
0x9b: {  	s6 =	simm.s32 $_size__tile_overlayer_lowered;
	s7 =	simm.s32 $_tile_overlayer_lowered  }
0x9c: {  	s22 =	simm.s32 $0x1BFF;
	s21 =	sshll.u32 s7, $0x1;
	s4 =	sadd.s32 s5, s19  }
0x9d: {  	s8 =	simm.s32 $0x0;
	s20 =	sshll.u32 s6, $0x1;
	s6 =	sadd.s32 s21, s4  }
0x9e: {  	[timem:s8], [sflag:s22] =	dma.local [hbm:s6], s20  }
0x9f: {  	_ =	swait.ge [sflag:s22], s20  }
0xa0: {  	s5 =	ssub.s32 $0x0, s20;
	[sflag:s22] =	ssyncset.done $0x0  }
0xa1: {  	[sflag:s22] =	ssyncadd.s32 s5;
	_ =	sdelay $0x1  }
0xa2: {  	s23 =	simm.s32 $0x1B8B  }
0xa3: {  	_ =	swait.ge [sflag:s23], $0x1  }
0xa4: {  	[sflag:s23] =	ssyncset.done $0x0  }
0xa5: {  	s25 =	simm.s32 $0x1B8E;
	s24 =	sld [smem:$0x3FFE];
	[sflag:s23] =	ssyncadd.s32 $0xFFFFFFFF  }
0xa6: {  	s26 =	simm.s32 $execute0_lowered;
	[smem:$0x3FD2] =	sst s25  }
0xa7: {  	s6 =	sshll.u32 s26, $0x1;
	_ =	strace $0x80000046;
	[dreg:$0x1] =	wrdreg $0xFFFFFFFF  }
0xa8: {  	s28 =	simm.s32 $_size_execute0_lowered;
	s4 =	sadd.s32 s4, s6;
	[dreg:$0x0] =	wrdreg $0x0  }
0xa9: {  	s6 =	sshll.u32 s28, $0x1;
	[dreg:$0x2] =	wrdreg s4  }
0xaa: {  	[dreg:$0x3] =	wrdreg s6  }
0xab: {  	[dreg:$0x4] =	wrdreg $0xC0  }
0xac: {  	_ =	task [dreg:s8], $0x5FFFF  }
0xad: {  	[dreg:$0x1] =	wrdreg $0xFFFFFFFF  }
0xae: {  	[dreg:$0x0] =	wrdreg $0x60  }
0xaf: {  	[dreg:$0x2] =	wrdreg s2  }
0xb0: {  	[dreg:$0x3] =	wrdreg s18  }
0xb1: {  	[dreg:$0x4] =	wrdreg s24  }
0xb2: {  	[dreg:$0x5] =	wrdreg $0x15B800  }
0xb3: {  	[dreg:$0x6] =	wrdreg $0x19BC00  }
0xb4: {  	[dreg:$0x7] =	wrdreg $0x9  }
0xb5: {  	_ =	task.clear_ibuf [dreg:s8], $0x8FFFF;
	_ =	strace $0x90000046  }
0xb6: {  	s29 =	simm.s32 $0x9;
	_ =	strace $0x80000048  }
0xb7: {  	_ =	swait.ge [sflag:s29], $0x1  }
0xb8: {  	[sflag:s29] =	ssyncadd.s32 $0xFFFFFFFF  }
0xb9: {  	_ =	strace $0x90000048  }
0xba: {  	_ =	sfence  }
0xbb: {  	s30 =	sld [smem:$0x0];
	_ =	sdelay $0x2  }
0xbc: {  	s31 =	sshll.u32 s1, $0xD;
	s1 =	sshrl.u32 s1, $0x2  }
0xbd: {  	s3 =	sand.u32 $0x4000, s31;
	s1 =	sadd.s32 s1, s30  }
0xbe: {  	s0 =	sor.u32 s3, s0;
	s1 =	sshll.u32 s1, $0x11  }
0xbf: {  	s0 =	sor.u32 s1, s0  }
0xc0: {  	s0 =	sadd.s32 $0x8F2B, s0  }
0xc1: {  	[sflag:s0] =	ssyncadd.remote.s32 $0x1  }
0xc2: {  	_ =	sfence.sel $0xFFFF  }
0xc3: {  	[dreg:$0x0] =	wrdreg $0xFFFFFFFF;
	(pc) =	sbr.abs _section_cstart, $3  }
0xc4: {  	[dreg:$0x1] =	wrdreg $0xFFFFFFFF  }
0xc5: {  	_ =	task.clear_ibuf [dreg:s8], $0x2FFFF;
	_ =	strace $0x9FFFFFFF  }
0xc6: {  	(tm) =	ssettm $0x7FFFFFFF  }
0xc7: {  	_ =	shalt  }
tec
execute0_lowered:
.L_overlay_start_1:
0x0: {  	(tag) =	ssettag $0x1  }
0x1: {  	s1 =	rddreg [dreg:$0x0]  }
0x2: {  	s0 =	rddreg [dreg:$0x1]  }
0x3: {  	s14 =	rddreg [dreg:$0x2]  }
0x4: {  	s2 =	rddreg [dreg:$0x3]  }
0x5: {  	s3 =	rddreg [dreg:$0x4]  }
0x6: {  	s5 =	simm.s32 $0x0;
	s6 =	srdreg.scid;
	s4 =	stileid.u32  }
0x7: {  	s16 =	simm.s32 $0x2;
	s17 =	simm.s32 $0xFB80;
	s18 =	simm.s32 $0x11B80  }
0x8: {  	s20 =	simm.s32 $0x9D00;
	s21 =	simm.s32 $0x1;
	s22 =	simm.s32 $0xEB80  }
0x9: {  	s23 =	simm.s32 $0xF380;
	s24 =	simm.s32 $0x0;
	[smem:$0x7FF] =	sst s5  }
0xa: {  	s12 =	sand.u32 $0x1, s6;
	s19 =	smul.u32 $0x4E20, s4;
	s6 =	sadd.s32 $0xC00, s14  }
0xb: {  	s7 =	sadd.s32 $0x400C00, s14;
	s11 =	sshll.u32 s4, $0xE;
	s13 =	sshll.u32 s4, $0xB  }
.Ltmp0:
0xc: {  	s14 =	sadd.s32 $0x1000, s14;
	s8 =	ssub.s32 $0x2, s12;
	(pc) =	sbr.rel .LBB2_1-.Ltmp0, $4  }
0xd: {  	v0 =	vlaneseq.u32;
	_ =	strace $0x80000047;
	s12 =	sshll.u32 s12, $0xB;
	s9 =	sshrl.u32 s8, $0x1  }
0xe: {  	s10 =	sshrl.u32 s19, $0x3;
	v1 =	vor.u32 s19, v0;
	s19 =	simm.s32 $0x4E80;
	s15 =	ssub.s32 s8, s9  }
0xf: {  	v2 =	vimm.f32 $0.0e+00;
	v3 =	vimm.f32 $1.000000000e+00;
	s0 =	sadd.s32 s0, s10;
	s9 =	sadd.s32 s11, s2;
	s11 =	sadd.s32 s11, s3  }
0x10: {  	v4 =	vimm.s32 $0x0;
	v5 =	vimm.s32 $0x800;
	vm0 =	vmmov $0xffff;
	[dreg:$0x6] =	wrdreg s0;
	s10 =	sadd.s32 $0x2000, s9;
	s15 =	smax.u32 s15, $0x1  }
.LBB2_13:
0x11: {  	s24 =	sadd.s32 $0x1, s24  }
0x12: {  	p0 =	sne.s32 s24, s15  }
.Ltmp1:
0x13: {  	_ = 	snop;
	(pc) =	sbr.rel @!p0 .LBB2_14-.Ltmp1, $1  }
0x14: {  	_ =	sdelay $0x3  }
.LBB2_1:
0x15: {  	s0 =	simm.s32 $0x0;
	s25 =	simm.s32 $0x200  }
.LBB2_2:
0x16: {  	p0 =	sne.s32 s25, $0x7E00;
	[tilespmem:s0+$0xFBF0] =	vst v2  }
0x17: {  	[tilespmem:s0+$0xFB80] =	vst v2  }
0x18: {  	[tilespmem:s0+$0xFB90] =	vst v2  }
.Ltmp2:
0x19: {  	[tilespmem:s0+$0xFBA0] =	vst v2;
	(pc) =	sbr.rel @p0 .LBB2_2-.Ltmp2, $4  }
0x1a: {  	[tilespmem:s0+$0xFBB0] =	vst v2  }
0x1b: {  	[tilespmem:s0+$0xFBC0] =	vst v2  }
0x1c: {  	[tilespmem:s0+$0xFBD0] =	vst v2  }
0x1d: {  	[tilespmem:s0+$0xFBE0] =	vst v2;
	s0 =	sshra.s32 s25, $0x2;
	s25 =	sadd.s32 $0x200, s25  }
0x1e: {  	[tilespmem:s0+$0xFBF0] =	vst v2  }
0x1f: {  	[tilespmem:s0+$0xFB80] =	vst v2  }
0x20: {  	[tilespmem:s0+$0xFB90] =	vst v2  }
0x21: {  	[tilespmem:s0+$0xFBA0] =	vst v2  }
0x22: {  	[tilespmem:s0+$0xFBB0] =	vst v2  }
0x23: {  	[tilespmem:s0+$0xFBC0] =	vst v2  }
0x24: {  	[tilespmem:s0+$0xFBD0] =	vst v2  }
0x25: {  	[tilespmem:s0+$0xFBE0] =	vst v2;
	s0 =	simm.s32 $0x200;
	s25 =	simm.s32 $0x0  }
.LBB2_4:
0x26: {  	p0 =	sne.s32 s0, $0xFE00;
	[tilespmem:s25+$0x11B80] =	vst v2;
	s25 =	smov.u32 s0;
	s0 =	sadd.s32 $0x200, s0  }
.Ltmp3:
0x27: {  	(pc) =	sbr.rel @p0 .LBB2_4-.Ltmp3, $2  }
0x28: {  	_ =	sdelay $0x2  }
0x29: {  	s25 =	sshra.s32 s25, $0x2  }
0x2a: {  	[tilespmem:s25+$0x11B80] =	vst v2  }
0x2b: {  	[tilespmem:$0xF380] =	vst v3  }
0x2c: {  	[tilespmem:$0xF400] =	vst v3  }
0x2d: {  	[tilespmem:$0xF480] =	vst v3  }
0x2e: {  	[tilespmem:$0xF500] =	vst v3  }
0x2f: {  	[tilespmem:$0xF580] =	vst v3  }
0x30: {  	[tilespmem:$0xF600] =	vst v3  }
0x31: {  	[tilespmem:$0xF680] =	vst v3  }
0x32: {  	[tilespmem:$0xF700] =	vst v3  }
0x33: {  	[tilespmem:$0xF780] =	vst v3  }
0x34: {  	[tilespmem:$0xF800] =	vst v3  }
0x35: {  	[tilespmem:$0xF880] =	vst v3  }
0x36: {  	[tilespmem:$0xF900] =	vst v3  }
0x37: {  	[tilespmem:$0xF980] =	vst v3  }
0x38: {  	[tilespmem:$0xFA00] =	vst v3  }
0x39: {  	[tilespmem:$0xFA80] =	vst v3  }
0x3a: {  	s25 =	simm.s32 $0x0;
	s0 =	rddreg [dreg:$0x6];
	[tilespmem:$0xFB00] =	vst v3  }
0x3b: {  	[tilespmem:s25], [sflag:$0x2] =	stream.linear.gather [hbm4b:s0+s25], $0x4E20, $0x38;
	[tilespmem:$0x1A3C8] =	vst v63  }
0x3c: {  	_ =	swait.ge [sflag:s16], $0x4E20  }
0x3d: {  	[sflag:s16] =	ssyncset.done $0x0  }
0x3e: {  	[sflag:s16] =	ssyncadd.s32 $0xFFFFB1E0  }
0x3f: {  	[spmem:s9] =	stream.linear.scatter [tilespmem:s17], [sflag:$0x2], $0x2000, $0x38;
	[tilespmem:$0x1A3C8] =	vst v63  }
0x40: {  	_ =	swait.ge [sflag:s16], $0x2000  }
0x41: {  	[sflag:s16] =	ssyncset.done $0x0  }
0x42: {  	[sflag:s16] =	ssyncadd.s32 $0xFFFFE000  }
0x43: {  	[spmem:s10] =	stream.linear.scatter [tilespmem:s17], [sflag:$0x2], $0x2000, $0x38;
	[tilespmem:$0x1A3C8] =	vst v63  }
0x44: {  	_ =	swait.ge [sflag:s16], $0x2000  }
0x45: {  	[sflag:s16] =	ssyncset.done $0x0  }
0x46: {  	[sflag:s16] =	ssyncadd.s32 $0xFFFFE000  }
0x47: {  	[spmem:s11] =	stream.linear.scatter [tilespmem:s18], [sflag:$0x2], $0x4000, $0x38;
	[tilespmem:$0x1A3C8] =	vst v63  }
.Ltmp4:
0x48: {  	_ =	swait.ge [sflag:s16], $0x4000;
	(pc) =	sbr.rel .LBB2_6-.Ltmp4, $4  }
0x49: {  	[sflag:s16] =	ssyncset.done $0x0  }
0x4a: {  	[sflag:s16] =	ssyncadd.s32 $0xFFFFC000  }
0x4b: {  	[bflag:$0x0] =	sbarrier.arrive $0xFFFF  }
0x4c: {  	s26 =	simm.s32 $0x0  }
.LBB2_11:
0x4d: {  	[sflag:s16] =	ssyncadd.s32 $0xFFFFFF00  }
.LBB2_12:
0x4e: {  	s0 =	sshll.u32 s28, $0x4  }
0x4f: {  	[bflag:$0x0] =	sbarrier.arrive $0xFFFF;
	s8 =	sshll.u32 s4, $0x6;
	s0 =	sor.u32 s13, s0  }
0x50: {  	s29 =	sshrl.u32 s9, $0x3;
	s8 =	sor.u32 $0x1C02, s8;
	s30 =	sadd.s32 s6, s0  }
0x51: {  	[hbm:s30], [sflag:s8] =	dma.local [spmem:s29], $0x400  }
0x52: {  	_ =	swait.ge [sflag:s16], $0x400  }
0x53: {  	[sflag:s16] =	ssyncset.done $0x0  }
0x54: {  	s31 =	sadd.s32 s0, s14;
	s30 =	sshrl.u32 s10, $0x3;
	[sflag:s16] =	ssyncadd.s32 $0xFFFFFC00  }
0x55: {  	[hbm:s31], [sflag:s8] =	dma.local [spmem:s30], $0x400  }
0x56: {  	_ =	swait.ge [sflag:s16], $0x400  }
0x57: {  	[sflag:s16] =	ssyncset.done $0x0  }
0x58: {  	s0 =	sadd.s32 s7, s0;
	s31 =	sshrl.u32 s11, $0x3;
	[sflag:s16] =	ssyncadd.s32 $0xFFFFFC00  }
0x59: {  	[hbm:s0], [sflag:s8] =	dma.local [spmem:s31], $0x800  }
0x5a: {  	_ =	swait.ge [sflag:s16], $0x800  }
0x5b: {  	[sflag:s16] =	ssyncset.done $0x0  }
0x5c: {  	[sflag:s16] =	ssyncadd.s32 $0xFFFFF800  }
0x5d: {  	[spmem:s9] =	stream.linear.scatter [tilespmem:s17], [sflag:$0x2], $0x2000, $0x38;
	[tilespmem:$0x1A3C8] =	vst v63  }
0x5e: {  	_ =	swait.ge [sflag:s16], $0x2000  }
0x5f: {  	[sflag:s16] =	ssyncset.done $0x0  }
0x60: {  	[sflag:s16] =	ssyncadd.s32 $0xFFFFE000  }
0x61: {  	[spmem:s10] =	stream.linear.scatter [tilespmem:s17], [sflag:$0x2], $0x2000, $0x38;
	[tilespmem:$0x1A3C8] =	vst v63  }
0x62: {  	_ =	swait.ge [sflag:s16], $0x2000  }
0x63: {  	s26 =	sadd.s32 $0x1, s26;
	[sflag:s16] =	ssyncset.done $0x0  }
0x64: {  	p0 =	sne.s32 s26, $0x40;
	[sflag:s16] =	ssyncadd.s32 $0xFFFFE000  }
0x65: {  	[spmem:s11] =	stream.linear.scatter [tilespmem:s18], [sflag:$0x2], $0x4000, $0x38;
	[tilespmem:$0x1A3C8] =	vst v63  }
.Ltmp5:
0x66: {  	_ =	swait.ge [sflag:s16], $0x4000;
	(pc) =	sbr.rel @!p0 .LBB2_13-.Ltmp5, $3  }
0x67: {  	[sflag:s16] =	ssyncset.done $0x0  }
0x68: {  	[sflag:s16] =	ssyncadd.s32 $0xFFFFC000  }
0x69: {  	[bflag:$0x0] =	sbarrier.arrive $0xFFFF;
	_ =	sdelay $0x1  }
.LBB2_6:
0x6a: {  	v7 =	vld [tilespmem:s25+$0x0];
	_ =	sdelay $0x1  }
0x6b: {  	s0 =	sshll.u32 s26, $0xC  }
0x6c: {  	s28 =	sor.u32 s12, s0  }
0x6d: {  	v6 =	vmov s28  }
0x6e: {  	v7 =	vsub.s32 v7, v6  }
0x6f: {  	vm1 =	vlt.u32 v7, $0x800  }
0x70: {  	v8 =	vsel vm1, $0x1, v4  }
0x71: {  	(xrf0) =	vadd.scan.msk.s32 $0xffff, v8;
	_ =	sdelay $0x5  }
0x72: {  	v9, _, _ =	vpop (xrf0)  }
0x73: {  	v8 =	vsel vm1, $0xFFFFFFFF, v4;
	v10 =	vxor.u32 $0x80000000, v9  }
0x74: {  	v8 =	vadd.s32 s25, v8;
	(xrf0) =	vmax.scan.msk.u32 $0xffff, v10  }
0x75: {  	v8 =	vadd.s32 v9, v8  }
0x76: {  	v8 =	vnsel vm1, $0x4E3F, v8;
	_ =	sdelay $0x2  }
0x77: {  	v62 =	vadd.s32 s25, v1  }
0x78: {  	v9 =	vnsel vm1, $0x0, v62;
	v63, _, _ =	vpop (xrf0)  }
0x79: {  	v7 =	vmin.u32 v7, $0x800;
	[tilespmem:v8+s19+$0x0] =	vst.idx.msk $0xffff, v9;
	(v2sf) =	vpush v63, $0xF  }
0x7a: {  	s29 =	simm.s32 $0x10;
	[tilespmem:v8+s20+$0x0] =	vst.idx.msk $0xffff, v7  }
0x7b: {  	s31 =	simm.s32 $0x20;
	s30 =	simm.s32 $0x0;
	s0 =	simm.s32 $0x10;
	v7 =	vld [tilespmem:s29+$0x0]  }
.LBB2_7:
0x7c: {  	p0 =	sne.s32 s31, $0x4E10;
	_ =	sdelay $0x3  }
0x7d: {  	v7 =	vsub.s32 v7, v6  }
0x7e: {  	v8 =	vadd.s32 s29, v1;
	s29 =	smov.u32 s31;
	vm1 =	vlt.u32 v7, $0x800;
	v7 =	vmin.u32 v7, $0x800  }
0x7f: {  	v9 =	vsel vm1, $0xFFFFFFFF, v4;
	v10 =	vsel vm1, $0x1, v4;
	v8 =	vnsel vm1, $0x0, v8  }
0x80: {  	(xrf0) =	vadd.scan.msk.s32 $0xffff, v10;
	_ =	sdelay $0x4  }
0x81: {  	s8 =	spop (v2sf)  }
0x82: {  	v10, _, _ =	vpop (xrf0);
	s8 =	sadd.s32 s8, s30  }
0x83: {  	v11 =	vxor.u32 $0x80000000, v10;
	s30 =	sadd.s32 $0x80000000, s8  }
0x84: {  	v9 =	vadd.s32 s30, v9;
	(xrf0) =	vmax.scan.msk.u32 $0xffff, v11  }
0x85: {  	v9 =	vadd.s32 v10, v9  }
0x86: {  	v9 =	vnsel vm1, $0x4E3F, v9;
	_ =	sdelay $0x2  }
.Ltmp6:
0x87: {  	(pc) =	sbr.rel @p0 .LBB2_7-.Ltmp6, $4  }
0x88: {  	v10, _, _ =	vpop (xrf0)  }
0x89: {  	[tilespmem:v9+s19+$0x0] =	vst.idx.msk $0xffff, v8;
	(v2sf) =	vpush v10, $0xF  }
0x8a: {  	s0 =	sadd.s32 $0x10, s0;
	[tilespmem:v9+s20+$0x0] =	vst.idx.msk $0xffff, v7  }
0x8b: {  	s31 =	sadd.s32 $0x10, s31;
	v7 =	vld [tilespmem:s0+$0x0]  }
0x8c: {  	_ =	sdelay $0x3  }
0x8d: {  	v6 =	vsub.s32 v7, v6  }
0x8e: {  	vm1 =	vlt.u32 v6, $0x800  }
0x8f: {  	v7 =	vsel vm1, $0x1, v4  }
0x90: {  	(xrf0) =	vadd.scan.msk.s32 $0xffff, v7;
	_ =	sdelay $0x5  }
0x91: {  	v7, _, _ =	vpop (xrf0)  }
0x92: {  	v8 =	vxor.u32 $0x80000000, v7  }
0x93: {  	(xrf0) =	vmax.scan.msk.u32 $0xffff, v8;
	_ =	sdelay $0x5  }
0x94: {  	v8, _, _ =	vpop (xrf0)  }
0x95: {  	(v2sf) =	vpush v8, $0xF;
	_ =	sdelay $0xc  }
0x96: {  	s0 =	spop (v2sf)  }
0x97: {  	s0 =	sadd.s32 s0, s30  }
0x98: {  	v62 =	vsel vm1, $0xFFFFFFFF, v4;
	s0 =	sadd.s32 $0x80000000, s0;
	s8 =	spop (v2sf)  }
0x99: {  	v8 =	vadd.s32 s0, v62;
	s0 =	sadd.s32 s8, s0  }
0x9a: {  	s0 =	sadd.s32 $0x80000000, s0  }
0x9b: {  	s8 =	sadd.s32 $0xF, s0  }
0x9c: {  	s30 =	sand.u32 $0xF, s8  }
0x9d: {  	s31 =	sshra.s32 s8, $0x1F;
	p0 =	slt.s32 s8, $0x1;
	p1 =	sne.s32 s30, $0x0  }
0x9e: {  	v7 =	vadd.s32 v7, v8;
	v63 =	vadd.s32 s0, v0;
	s0 =	sshrl.u32 s31, $0x1C;
	p0 =	por !p0, !p1  }
0x9f: {  	v7 =	vnsel vm1, $0x4E3F, v7;
	s0 =	sadd.s32 s0, s8;
	s8 =	simm.s32 $0x1;
	p0 =	por !p0, !p0  }
0xa0: {  	s0 =	sshra.s32 s0, $0x4;
	s8 =	simm.s32 @!p0 $0x0  }
0xa1: {  	s0 =	ssub.s32 s0, s8  }
0xa2: {  	v9 =	vadd.s32 s29, v1;
	p0 =	slt.s32 s0, $0x1  }
.Ltmp7:
0xa3: {  	v9 =	vnsel vm1, $0x0, v9;
	(pc) =	sbr.rel @p0 .LBB2_12-.Ltmp7, $4  }
0xa4: {  	v6 =	vmin.u32 v6, $0x800;
	[tilespmem:v7+s19+$0x0] =	vst.idx.msk $0xffff, v9  }
0xa5: {  	s29 =	simm.s32 $0x4E80;
	[tilespmem:v7+s20+$0x0] =	vst.idx.msk $0xffff, v6  }
0xa6: {  	s30 =	simm.s32 $0x9D00;
	[tilespmem:v63+s29+$0x0] =	vst.idx.msk $0xffff, v4  }
0xa7: {  	[tilespmem:v63+s30+$0x0] =	vst.idx.msk $0xffff, v5  }
0xa8: {  	v6 =	vld [tilespmem:s29+$0x0];
	_ =	sdelay $0x3  }
0xa9: {  	v7 =	vld [tilespmem:s30+$0x0];
	_ =	sdelay $0x3  }
0xaa: {  	[tilespmem:s22], [sflag:$0x1] =	stream.indirect_vreg.gather [hbm4b:s1+s5], $0x80, v6, vm0, $0xb8;
	[tilespmem:$0x1A3C8] =	vst v63  }
0xab: {  	_ =	swait.ge [sflag:s21], $0x800  }
0xac: {  	[sflag:s21] =	ssyncset.done $0x0  }
0xad: {  	[sflag:s21] =	ssyncadd.s32 $0xFFFFF800  }
0xae: {  	[spmem:s2] =	stream.indirect_vreg.scatter.add.f32 [tilespmem:s22], [sflag:$0x2], $0x80, v7, vm0, $0xb8;
	[tilespmem:$0x1A3C8] =	vst v63  }
0xaf: {  	p0 =	sne.s32 s0, $0x1;
	_ =	swait.ge [sflag:s16], $0x800  }
.Ltmp8:
0xb0: {  	[sflag:s16] =	ssyncset.done $0x0;
	(pc) =	sbr.rel @!p0 .LBB2_11-.Ltmp8, $4  }
0xb1: {  	[sflag:s16] =	ssyncadd.s32 $0xFFFFF800  }
0xb2: {  	[spmem:s3] =	stream.indirect_vreg.scatter.add.f32 [tilespmem:s23], [sflag:$0x2], $0x10, v7, vm0, $0xb8;
	[tilespmem:$0x1A3C8] =	vst v63  }
0xb3: {  	_ =	swait.ge [sflag:s16], $0x100  }
0xb4: {  	s0 =	sadd.s32 $0xFFFFFFFF, s0;
	[sflag:s16] =	ssyncset.done $0x0  }
.LBB2_10:
0xb5: {  	[sflag:s16] =	ssyncadd.s32 $0xFFFFFF00;
	s29 =	sadd.s32 $0x10, s29;
	s30 =	sadd.s32 $0x10, s30  }
0xb6: {  	p0 =	sne.s32 s0, $0x1;
	s0 =	sadd.s32 $0xFFFFFFFF, s0;
	v6 =	vld [tilespmem:s29+$0x0];
	_ =	sdelay $0x3  }
0xb7: {  	v7 =	vld [tilespmem:s30+$0x0];
	_ =	sdelay $0x3  }
0xb8: {  	[tilespmem:s22], [sflag:$0x1] =	stream.indirect_vreg.gather [hbm4b:s1+s5], $0x80, v6, vm0, $0xb8;
	[tilespmem:$0x1A3C8] =	vst v63  }
0xb9: {  	_ =	swait.ge [sflag:s21], $0x800  }
0xba: {  	[sflag:s21] =	ssyncset.done $0x0  }
0xbb: {  	[sflag:s21] =	ssyncadd.s32 $0xFFFFF800  }
0xbc: {  	[spmem:s2] =	stream.indirect_vreg.scatter.add.f32 [tilespmem:s22], [sflag:$0x2], $0x80, v7, vm0, $0xb8;
	[tilespmem:$0x1A3C8] =	vst v63  }
0xbd: {  	_ =	swait.ge [sflag:s16], $0x800  }
.Ltmp9:
0xbe: {  	[sflag:s16] =	ssyncset.done $0x0;
	(pc) =	sbr.rel @p0 .LBB2_10-.Ltmp9, $4  }
0xbf: {  	[sflag:s16] =	ssyncadd.s32 $0xFFFFF800  }
0xc0: {  	[spmem:s3] =	stream.indirect_vreg.scatter.add.f32 [tilespmem:s23], [sflag:$0x2], $0x10, v7, vm0, $0xb8;
	[tilespmem:$0x1A3C8] =	vst v63  }
0xc1: {  	_ =	swait.ge [sflag:s16], $0x100  }
0xc2: {  	[sflag:s16] =	ssyncset.done $0x0  }
.Ltmp10:
0xc3: {  	_ = 	snop;
	(pc) =	sbr.rel .LBB2_11-.Ltmp10, $1  }
0xc4: {  	_ =	sdelay $0x3  }
.LBB2_14:
0xc5: {  	_ =	sfence.sel $0x180000  }
0xc6: {  	[bflag:$0x0] =	sbarrier.arrive $0xFFFF  }
0xc7: {  	_ =	strace $0x90000047  }
0xc8: {  	[bflag:$0x2] =	sbarrier.arrive $0xFFFF  }
0xc9: {  	p0 =	sne.s32 s4, $0x0;
	s0 =	rddreg [dreg:$0x5]  }
0xca: {  	s0 =	sadd.s32 @!p0 $0x100000, s0  }
0xcb: {  	[sflag:s0] =	ssyncadd.tile.s32 @!p0 $0x1;
	_ =	shalt  }
.Lfunc_end2:
_tile_overlayer_lowered:
.L_overlay_start_2:
0xcc: {  	(tag) =	ssettag $0x2  }
0xcd: {  	s0 =	rddreg [dreg:$0x0];
	s2 =	stileid.u32  }
0xce: {  	s1 =	rddreg [dreg:$0x1];
	p0 =	sne.s32 s2, $0x0  }
0xcf: {  	s3 =	rddreg [dreg:$0x2];
	[bflag:$0x3] =	sbarrier.arrive $0xFFFF;
	s2 =	simm.s32 @!p0 $0x1C02  }
0xd0: {  	[timem:s3], [sflag:s2] =	dma.local @!p0 [hbm:s0], s1  }
0xd1: {  	s0 =	simm.s32 @!p0 $0x2  }
0xd2: {  	_ =	swait.ge @!p0 [sflag:s0], s1  }
0xd3: {  	s1 =	ssub.s32 @!p0 $0x0, s1;
	[sflag:s0] =	ssyncset.done @!p0 $0x0  }
0xd4: {  	[sflag:s0] =	ssyncadd.s32 @!p0 s1  }
0xd5: {  	[bflag:$0x3] =	sbarrier.arrive $0xFFFF  }
0xd6: {  	_ =	shalt  }

</sc_bundles>
